<compile_context>
chip_gen: v7x
topology: tpu7x:2x2x1
jax: 0.10.2.dev20260603
libtpu: 0.0.44.dev20260713+nightly
codegen_flags: <defaults>
</compile_context>

<pallas_src>
import jax
import jax.numpy as jnp
from jax import lax
from jax.experimental import pallas as pl
from jax.experimental.pallas import tpu as pltpu
from jax.experimental.pallas import tpu_sc as plsc

PRE_SEQ_LEN = 128
HIDDEN = 1024
NUM_LAYERS = 24
OUT_DIM = NUM_LAYERS * 2 * HIDDEN
BATCH = 4

NB = BATCH * PRE_SEQ_LEN
NC, NS, L = 2, 16, 16
NW = NC * NS
B_PER_W = NB // NW


def _body(table, sidx_hbm, perm_hbm, out, idx_v, perm_v, buf_a, buf_b,
          gsem, *wsems):
    wid = lax.axis_index("s") * NC + lax.axis_index("c")
    base = wid * B_PER_W

    pltpu.sync_copy(sidx_hbm.at[pl.ds(base, B_PER_W)], idx_v)
    pltpu.sync_copy(perm_hbm.at[pl.ds(base, B_PER_W)], perm_v)
    sv = idx_v[...]
    pv = perm_v[...]

    lane = lax.iota(jnp.int32, L)
    s = [jnp.sum(jnp.where(lane == j, sv, 0)) for j in range(B_PER_W)]
    p = [jnp.sum(jnp.where(lane == j, pv, 0)) for j in range(B_PER_W)]
    f = [None] + [s[j] != s[j - 1] for j in range(1, B_PER_W)]
    r = [jnp.int32(0)]
    for j in range(1, B_PER_W):
        r.append(r[j - 1] + jnp.where(f[j], 1, 0).astype(jnp.int32))
    q = [jnp.equal(lax.rem(r[j], 2), 0) for j in range(B_PER_W)]

    def drain(j):
        pltpu.make_async_copy(buf_a, out.at[pl.ds(p[j], 1)], wsems[j]).wait()

    for j in range(B_PER_W):
        if j >= 2:
            drain(j - 2)

        if j == 0:
            pltpu.async_copy(table.at[pl.ds(s[0], 1)], buf_a, gsem).wait()
        else:
            @pl.when(f[j] & q[j])
            def _(j=j):
                pltpu.async_copy(table.at[pl.ds(s[j], 1)], buf_a, gsem).wait()

            @pl.when(f[j] & jnp.logical_not(q[j]))
            def _(j=j):
                pltpu.async_copy(table.at[pl.ds(s[j], 1)], buf_b, gsem).wait()

        @pl.when(q[j])
        def _(j=j):
            pltpu.make_async_copy(buf_a, out.at[pl.ds(p[j], 1)], wsems[j]).start()

        @pl.when(jnp.logical_not(q[j]))
        def _(j=j):
            pltpu.make_async_copy(buf_b, out.at[pl.ds(p[j], 1)], wsems[j]).start()

    drain(B_PER_W - 2)
    drain(B_PER_W - 1)


@jax.jit
def _sc_gather(table, sidx, perm):
    mesh = plsc.VectorSubcoreMesh(core_axis_name="c", subcore_axis_name="s")
    k = pl.kernel(
        _body,
        out_type=jax.ShapeDtypeStruct((NB, OUT_DIM), jnp.float32),
        mesh=mesh,
        compiler_params=pltpu.CompilerParams(needs_layout_passes=False),
        scratch_types=(
            [pltpu.VMEM((B_PER_W,), jnp.int32)] * 2
            + [pltpu.VMEM((1, OUT_DIM), jnp.float32)] * 2
            + [pltpu.SemaphoreType.DMA] * (1 + B_PER_W)
        ),
    )
    return k(table, sidx, perm)


def kernel(prefix, embedding_weight):
    idx = prefix.reshape(NB)
    pos = lax.iota(jnp.int32, NB)
    sidx, perm = lax.sort_key_val(idx, pos)
    out = _sc_gather(embedding_weight, sidx, perm)
    return out.reshape(BATCH, PRE_SEQ_LEN, OUT_DIM)

# --- scband reference (transcript-rebuilt; emitter-appended) ---
"""Pipeline reference for scband-prefix-encoder-2860448219361 (READ-ONLY COPY).

The authoritative reference and input builder live on the scoring server;
editing this copy changes nothing except your own understanding.
"""

import jax, jax.numpy as jnp
import numpy as np

PRE_SEQ_LEN = 128
HIDDEN = 1024
NUM_LAYERS = 24
OUT_DIM = NUM_LAYERS * 2 * HIDDEN  # 49152
BATCH = 4


def setup_inputs(seed: int = 0) -> dict:
    key = jax.random.key(seed)
    k1, k2 = jax.random.split(key)
    prefix = jax.random.randint(k1, (BATCH, PRE_SEQ_LEN), 0, PRE_SEQ_LEN, dtype=jnp.int32)
    embedding_weight = jax.random.normal(k2, (PRE_SEQ_LEN, OUT_DIM), dtype=jnp.float32)
    return {"prefix": prefix, "embedding_weight": embedding_weight}


def reference(prefix, embedding_weight):
    # prefix_projection=False branch: past_key_values = Embedding(prefix)
    past_key_values = jnp.take(embedding_weight, prefix, axis=0)
    return past_key_values

if __name__ == "__main__":
    import jax
    _d = setup_inputs()
    print(jax.jit(kernel)(*tuple(_d.values())))

</pallas_src>

<mosaic_0001>
#map = affine_map<(d0, d1) -> (0, 0)>
#map1 = affine_map<(d0, d1) -> (0)>
module attributes {stable_mosaic.version = 14 : i64} {
  func.func @_body(%arg0: i32, %arg1: i32, %arg2: memref<128x49152xf32, #tpu.memory_space<hbm>>, %arg3: memref<512xi32, #tpu.memory_space<hbm>>, %arg4: memref<512xi32, #tpu.memory_space<hbm>>, %arg5: memref<512x49152xf32, #tpu.memory_space<hbm>>, %arg6: memref<16xi32, #tpu.memory_space<vmem>>, %arg7: memref<16xi32, #tpu.memory_space<vmem>>, %arg8: memref<1x49152xf32, #tpu.memory_space<vmem>>, %arg9: memref<1x49152xf32, #tpu.memory_space<vmem>>, %arg10: memref<!tpu.dma_semaphore, #tpu.memory_space<semaphore_mem>>, %arg11: memref<!tpu.dma_semaphore, #tpu.memory_space<semaphore_mem>>, %arg12: memref<!tpu.dma_semaphore, #tpu.memory_space<semaphore_mem>>, %arg13: memref<!tpu.dma_semaphore, #tpu.memory_space<semaphore_mem>>, %arg14: memref<!tpu.dma_semaphore, #tpu.memory_space<semaphore_mem>>, %arg15: memref<!tpu.dma_semaphore, #tpu.memory_space<semaphore_mem>>, %arg16: memref<!tpu.dma_semaphore, #tpu.memory_space<semaphore_mem>>, %arg17: memref<!tpu.dma_semaphore, #tpu.memory_space<semaphore_mem>>, %arg18: memref<!tpu.dma_semaphore, #tpu.memory_space<semaphore_mem>>, %arg19: memref<!tpu.dma_semaphore, #tpu.memory_space<semaphore_mem>>, %arg20: memref<!tpu.dma_semaphore, #tpu.memory_space<semaphore_mem>>, %arg21: memref<!tpu.dma_semaphore, #tpu.memory_space<semaphore_mem>>, %arg22: memref<!tpu.dma_semaphore, #tpu.memory_space<semaphore_mem>>, %arg23: memref<!tpu.dma_semaphore, #tpu.memory_space<semaphore_mem>>, %arg24: memref<!tpu.dma_semaphore, #tpu.memory_space<semaphore_mem>>, %arg25: memref<!tpu.dma_semaphore, #tpu.memory_space<semaphore_mem>>, %arg26: memref<!tpu.dma_semaphore, #tpu.memory_space<semaphore_mem>>) attributes {dimension_semantics = [#tpu.dimension_semantics<core_parallel>, #tpu.dimension_semantics<subcore_parallel>], iteration_bounds = array<i64: 2, 16>, scalar_prefetch = 0 : i64, scratch_operands = 21 : i64, tpu.core_type = #tpu.core_type<sc_vector_subcore>, window_params = [{transform_indices = #map}, {transform_indices = #map1}, {transform_indices = #map1}, {transform_indices = #map}]} {
    %mul3A = arith.constant 2 : i32
    %mul3A_0 = arith.muli %arg1, %mul3A : i32
    %add3A = arith.addi %mul3A_0, %arg0 : i32
    %mul3A_1 = arith.constant 16 : i32
    %mul3A_2 = arith.muli %add3A, %mul3A_1 : i32
    "tpu.region"() ({
      %run_scoped3A = tpu.sem_alloc : memref<!tpu.dma_semaphore, #tpu.memory_space<semaphore_mem>>
      %dma_start3A_804 = tpu.memref_slice %arg3[%mul3A_2] : memref<512xi32, #tpu.memory_space<hbm>> -> memref<16xi32, #tpu.memory_space<hbm>>
      %dma_start3A_805 = tpu.memref_slice %arg3[%mul3A_2] : memref<512xi32, #tpu.memory_space<hbm>> -> memref<16xi32, #tpu.memory_space<hbm>>
      tpu.enqueue_dma source(%dma_start3A_805 : memref<16xi32, #tpu.memory_space<hbm>>) target(%arg6 : memref<16xi32, #tpu.memory_space<vmem>>) target_semaphore(%run_scoped3A : memref<!tpu.dma_semaphore, #tpu.memory_space<semaphore_mem>>)
      %dma_wait3A_806 = tpu.memref_slice %arg3[%mul3A_2] : memref<512xi32, #tpu.memory_space<hbm>> -> memref<16xi32, #tpu.memory_space<hbm>>
      %dma_wait3A_807 = tpu.memref_slice %arg3[%mul3A_2] : memref<512xi32, #tpu.memory_space<hbm>> -> memref<16xi32, #tpu.memory_space<hbm>>
      tpu.wait_dma2 semaphore(%run_scoped3A : memref<!tpu.dma_semaphore, #tpu.memory_space<semaphore_mem>>) src(%dma_wait3A_807 : memref<16xi32, #tpu.memory_space<hbm>>) dst(%arg6 : memref<16xi32, #tpu.memory_space<vmem>>)
      tpu.yield
    }) : () -> ()
    "tpu.region"() ({
      %run_scoped3A = tpu.sem_alloc : memref<!tpu.dma_semaphore, #tpu.memory_space<semaphore_mem>>
      %dma_start3A_804 = tpu.memref_slice %arg4[%mul3A_2] : memref<512xi32, #tpu.memory_space<hbm>> -> memref<16xi32, #tpu.memory_space<hbm>>
      %dma_start3A_805 = tpu.memref_slice %arg4[%mul3A_2] : memref<512xi32, #tpu.memory_space<hbm>> -> memref<16xi32, #tpu.memory_space<hbm>>
      tpu.enqueue_dma source(%dma_start3A_805 : memref<16xi32, #tpu.memory_space<hbm>>) target(%arg7 : memref<16xi32, #tpu.memory_space<vmem>>) target_semaphore(%run_scoped3A : memref<!tpu.dma_semaphore, #tpu.memory_space<semaphore_mem>>)
      %dma_wait3A_806 = tpu.memref_slice %arg4[%mul3A_2] : memref<512xi32, #tpu.memory_space<hbm>> -> memref<16xi32, #tpu.memory_space<hbm>>
      %dma_wait3A_807 = tpu.memref_slice %arg4[%mul3A_2] : memref<512xi32, #tpu.memory_space<hbm>> -> memref<16xi32, #tpu.memory_space<hbm>>
      tpu.wait_dma2 semaphore(%run_scoped3A : memref<!tpu.dma_semaphore, #tpu.memory_space<semaphore_mem>>) src(%dma_wait3A_807 : memref<16xi32, #tpu.memory_space<hbm>>) dst(%arg7 : memref<16xi32, #tpu.memory_space<vmem>>)
      tpu.yield
    }) : () -> ()
    %get3A = arith.constant 0 : index
    %get3A_3 = tpu.vector_load %arg6[%get3A] {strides = array<i32>} : memref<16xi32, #tpu.memory_space<vmem>>, vector<16xi32>,
    %get3A_4 = arith.constant 0 : index
    %get3A_5 = tpu.vector_load %arg7[%get3A_4] {strides = array<i32>} : memref<16xi32, #tpu.memory_space<vmem>>, vector<16xi32>,
    %iota3A = tpu.iota {dimensions = array<i32: 0>} : vector<16xi32>
    %eq3A = arith.constant 0 : i32
    %eq3A_6 = vector.broadcast %eq3A : i32 to vector<16xi32>
    %eq3A_7 = arith.cmpi eq, %iota3A, %eq3A_6 : vector<16xi32>
    %jit3A = arith.constant 0 : i32
    %broadcast_in_dim3A = vector.broadcast %jit3A : i32 to vector<16xi32>
    %select_n3A = arith.select %eq3A_7, %get3A_3, %broadcast_in_dim3A : vector<16xi1>, vector<16xi32>
    %reduce_sum3A = arith.constant true
    %reduce_sum3A_8 = vector.broadcast %reduce_sum3A : i1 to vector<16xi1>
    %reduce_sum3A_9 = tpu.scan <sum>, %select_n3A masked %reduce_sum3A_8 : vector<16xi32>, vector<16xi1> -> vector<16xi32>
    %reduce_sum3A_10 = vector.extract %reduce_sum3A_9[15] : i32 from vector<16xi32>
    %eq3A_11 = arith.constant 1 : i32
    %eq3A_12 = vector.broadcast %eq3A_11 : i32 to vector<16xi32>
    %eq3A_13 = arith.cmpi eq, %iota3A, %eq3A_12 : vector<16xi32>
    %jit3A_14 = arith.constant 0 : i32
    %broadcast_in_dim3A_15 = vector.broadcast %jit3A_14 : i32 to vector<16xi32>
    %select_n3A_16 = arith.select %eq3A_13, %get3A_3, %broadcast_in_dim3A_15 : vector<16xi1>, vector<16xi32>
    %reduce_sum3A_17 = arith.constant true
    %reduce_sum3A_18 = vector.broadcast %reduce_sum3A_17 : i1 to vector<16xi1>
    %reduce_sum3A_19 = tpu.scan <sum>, %select_n3A_16 masked %reduce_sum3A_18 : vector<16xi32>, vector<16xi1> -> vector<16xi32>
    %reduce_sum3A_20 = vector.extract %reduce_sum3A_19[15] : i32 from vector<16xi32>
    %eq3A_21 = arith.constant 2 : i32
    %eq3A_22 = vector.broadcast %eq3A_21 : i32 to vector<16xi32>
    %eq3A_23 = arith.cmpi eq, %iota3A, %eq3A_22 : vector<16xi32>
    %jit3A_24 = arith.constant 0 : i32
    %broadcast_in_dim3A_25 = vector.broadcast %jit3A_24 : i32 to vector<16xi32>
    %select_n3A_26 = arith.select %eq3A_23, %get3A_3, %broadcast_in_dim3A_25 : vector<16xi1>, vector<16xi32>
    %reduce_sum3A_27 = arith.constant true
    %reduce_sum3A_28 = vector.broadcast %reduce_sum3A_27 : i1 to vector<16xi1>
    %reduce_sum3A_29 = tpu.scan <sum>, %select_n3A_26 masked %reduce_sum3A_28 : vector<16xi32>, vector<16xi1> -> vector<16xi32>
    %reduce_sum3A_30 = vector.extract %reduce_sum3A_29[15] : i32 from vector<16xi32>
    %eq3A_31 = arith.constant 3 : i32
    %eq3A_32 = vector.broadcast %eq3A_31 : i32 to vector<16xi32>
    %eq3A_33 = arith.cmpi eq, %iota3A, %eq3A_32 : vector<16xi32>
    %jit3A_34 = arith.constant 0 : i32
    %broadcast_in_dim3A_35 = vector.broadcast %jit3A_34 : i32 to vector<16xi32>
    %select_n3A_36 = arith.select %eq3A_33, %get3A_3, %broadcast_in_dim3A_35 : vector<16xi1>, vector<16xi32>
    %reduce_sum3A_37 = arith.constant true
    %reduce_sum3A_38 = vector.broadcast %reduce_sum3A_37 : i1 to vector<16xi1>
    %reduce_sum3A_39 = tpu.scan <sum>, %select_n3A_36 masked %reduce_sum3A_38 : vector<16xi32>, vector<16xi1> -> vector<16xi32>
    %reduce_sum3A_40 = vector.extract %reduce_sum3A_39[15] : i32 from vector<16xi32>
    %eq3A_41 = arith.constant 4 : i32
    %eq3A_42 = vector.broadcast %eq3A_41 : i32 to vector<16xi32>
    %eq3A_43 = arith.cmpi eq, %iota3A, %eq3A_42 : vector<16xi32>
    %jit3A_44 = arith.constant 0 : i32
    %broadcast_in_dim3A_45 = vector.broadcast %jit3A_44 : i32 to vector<16xi32>
    %select_n3A_46 = arith.select %eq3A_43, %get3A_3, %broadcast_in_dim3A_45 : vector<16xi1>, vector<16xi32>
    %reduce_sum3A_47 = arith.constant true
    %reduce_sum3A_48 = vector.broadcast %reduce_sum3A_47 : i1 to vector<16xi1>
    %reduce_sum3A_49 = tpu.scan <sum>, %select_n3A_46 masked %reduce_sum3A_48 : vector<16xi32>, vector<16xi1> -> vector<16xi32>
    %reduce_sum3A_50 = vector.extract %reduce_sum3A_49[15] : i32 from vector<16xi32>
    %eq3A_51 = arith.constant 5 : i32
    %eq3A_52 = vector.broadcast %eq3A_51 : i32 to vector<16xi32>
    %eq3A_53 = arith.cmpi eq, %iota3A, %eq3A_52 : vector<16xi32>
    %jit3A_54 = arith.constant 0 : i32
    %broadcast_in_dim3A_55 = vector.broadcast %jit3A_54 : i32 to vector<16xi32>
    %select_n3A_56 = arith.select %eq3A_53, %get3A_3, %broadcast_in_dim3A_55 : vector<16xi1>, vector<16xi32>
    %reduce_sum3A_57 = arith.constant true
    %reduce_sum3A_58 = vector.broadcast %reduce_sum3A_57 : i1 to vector<16xi1>
    %reduce_sum3A_59 = tpu.scan <sum>, %select_n3A_56 masked %reduce_sum3A_58 : vector<16xi32>, vector<16xi1> -> vector<16xi32>
    %reduce_sum3A_60 = vector.extract %reduce_sum3A_59[15] : i32 from vector<16xi32>
    %eq3A_61 = arith.constant 6 : i32
    %eq3A_62 = vector.broadcast %eq3A_61 : i32 to vector<16xi32>
    %eq3A_63 = arith.cmpi eq, %iota3A, %eq3A_62 : vector<16xi32>
    %jit3A_64 = arith.constant 0 : i32
    %broadcast_in_dim3A_65 = vector.broadcast %jit3A_64 : i32 to vector<16xi32>
    %select_n3A_66 = arith.select %eq3A_63, %get3A_3, %broadcast_in_dim3A_65 : vector<16xi1>, vector<16xi32>
    %reduce_sum3A_67 = arith.constant true
    %reduce_sum3A_68 = vector.broadcast %reduce_sum3A_67 : i1 to vector<16xi1>
    %reduce_sum3A_69 = tpu.scan <sum>, %select_n3A_66 masked %reduce_sum3A_68 : vector<16xi32>, vector<16xi1> -> vector<16xi32>
    %reduce_sum3A_70 = vector.extract %reduce_sum3A_69[15] : i32 from vector<16xi32>
    %eq3A_71 = arith.constant 7 : i32
    %eq3A_72 = vector.broadcast %eq3A_71 : i32 to vector<16xi32>
    %eq3A_73 = arith.cmpi eq, %iota3A, %eq3A_72 : vector<16xi32>
    %jit3A_74 = arith.constant 0 : i32
    %broadcast_in_dim3A_75 = vector.broadcast %jit3A_74 : i32 to vector<16xi32>
    %select_n3A_76 = arith.select %eq3A_73, %get3A_3, %broadcast_in_dim3A_75 : vector<16xi1>, vector<16xi32>
    %reduce_sum3A_77 = arith.constant true
    %reduce_sum3A_78 = vector.broadcast %reduce_sum3A_77 : i1 to vector<16xi1>
    %reduce_sum3A_79 = tpu.scan <sum>, %select_n3A_76 masked %reduce_sum3A_78 : vector<16xi32>, vector<16xi1> -> vector<16xi32>
    %reduce_sum3A_80 = vector.extract %reduce_sum3A_79[15] : i32 from vector<16xi32>
    %eq3A_81 = arith.constant 8 : i32
    %eq3A_82 = vector.broadcast %eq3A_81 : i32 to vector<16xi32>
    %eq3A_83 = arith.cmpi eq, %iota3A, %eq3A_82 : vector<16xi32>
    %jit3A_84 = arith.constant 0 : i32
    %broadcast_in_dim3A_85 = vector.broadcast %jit3A_84 : i32 to vector<16xi32>
    %select_n3A_86 = arith.select %eq3A_83, %get3A_3, %broadcast_in_dim3A_85 : vector<16xi1>, vector<16xi32>
    %reduce_sum3A_87 = arith.constant true
    %reduce_sum3A_88 = vector.broadcast %reduce_sum3A_87 : i1 to vector<16xi1>
    %reduce_sum3A_89 = tpu.scan <sum>, %select_n3A_86 masked %reduce_sum3A_88 : vector<16xi32>, vector<16xi1> -> vector<16xi32>
    %reduce_sum3A_90 = vector.extract %reduce_sum3A_89[15] : i32 from vector<16xi32>
    %eq3A_91 = arith.constant 9 : i32
    %eq3A_92 = vector.broadcast %eq3A_91 : i32 to vector<16xi32>
    %eq3A_93 = arith.cmpi eq, %iota3A, %eq3A_92 : vector<16xi32>
    %jit3A_94 = arith.constant 0 : i32
    %broadcast_in_dim3A_95 = vector.broadcast %jit3A_94 : i32 to vector<16xi32>
    %select_n3A_96 = arith.select %eq3A_93, %get3A_3, %broadcast_in_dim3A_95 : vector<16xi1>, vector<16xi32>
    %reduce_sum3A_97 = arith.constant true
    %reduce_sum3A_98 = vector.broadcast %reduce_sum3A_97 : i1 to vector<16xi1>
    %reduce_sum3A_99 = tpu.scan <sum>, %select_n3A_96 masked %reduce_sum3A_98 : vector<16xi32>, vector<16xi1> -> vector<16xi32>
    %reduce_sum3A_100 = vector.extract %reduce_sum3A_99[15] : i32 from vector<16xi32>
    %eq3A_101 = arith.constant 10 : i32
    %eq3A_102 = vector.broadcast %eq3A_101 : i32 to vector<16xi32>
    %eq3A_103 = arith.cmpi eq, %iota3A, %eq3A_102 : vector<16xi32>
    %jit3A_104 = arith.constant 0 : i32
    %broadcast_in_dim3A_105 = vector.broadcast %jit3A_104 : i32 to vector<16xi32>
    %select_n3A_106 = arith.select %eq3A_103, %get3A_3, %broadcast_in_dim3A_105 : vector<16xi1>, vector<16xi32>
    %reduce_sum3A_107 = arith.constant true
    %reduce_sum3A_108 = vector.broadcast %reduce_sum3A_107 : i1 to vector<16xi1>
    %reduce_sum3A_109 = tpu.scan <sum>, %select_n3A_106 masked %reduce_sum3A_108 : vector<16xi32>, vector<16xi1> -> vector<16xi32>
    %reduce_sum3A_110 = vector.extract %reduce_sum3A_109[15] : i32 from vector<16xi32>
    %eq3A_111 = arith.constant 11 : i32
    %eq3A_112 = vector.broadcast %eq3A_111 : i32 to vector<16xi32>
    %eq3A_113 = arith.cmpi eq, %iota3A, %eq3A_112 : vector<16xi32>
    %jit3A_114 = arith.constant 0 : i32
    %broadcast_in_dim3A_115 = vector.broadcast %jit3A_114 : i32 to vector<16xi32>
    %select_n3A_116 = arith.select %eq3A_113, %get3A_3, %broadcast_in_dim3A_115 : vector<16xi1>, vector<16xi32>
    %reduce_sum3A_117 = arith.constant true
    %reduce_sum3A_118 = vector.broadcast %reduce_sum3A_117 : i1 to vector<16xi1>
    %reduce_sum3A_119 = tpu.scan <sum>, %select_n3A_116 masked %reduce_sum3A_118 : vector<16xi32>, vector<16xi1> -> vector<16xi32>
    %reduce_sum3A_120 = vector.extract %reduce_sum3A_119[15] : i32 from vector<16xi32>
    %eq3A_121 = arith.constant 12 : i32
    %eq3A_122 = vector.broadcast %eq3A_121 : i32 to vector<16xi32>
    %eq3A_123 = arith.cmpi eq, %iota3A, %eq3A_122 : vector<16xi32>
    %jit3A_124 = arith.constant 0 : i32
    %broadcast_in_dim3A_125 = vector.broadcast %jit3A_124 : i32 to vector<16xi32>
    %select_n3A_126 = arith.select %eq3A_123, %get3A_3, %broadcast_in_dim3A_125 : vector<16xi1>, vector<16xi32>
    %reduce_sum3A_127 = arith.constant true
    %reduce_sum3A_128 = vector.broadcast %reduce_sum3A_127 : i1 to vector<16xi1>
    %reduce_sum3A_129 = tpu.scan <sum>, %select_n3A_126 masked %reduce_sum3A_128 : vector<16xi32>, vector<16xi1> -> vector<16xi32>
    %reduce_sum3A_130 = vector.extract %reduce_sum3A_129[15] : i32 from vector<16xi32>
    %eq3A_131 = arith.constant 13 : i32
    %eq3A_132 = vector.broadcast %eq3A_131 : i32 to vector<16xi32>
    %eq3A_133 = arith.cmpi eq, %iota3A, %eq3A_132 : vector<16xi32>
    %jit3A_134 = arith.constant 0 : i32
    %broadcast_in_dim3A_135 = vector.broadcast %jit3A_134 : i32 to vector<16xi32>
    %select_n3A_136 = arith.select %eq3A_133, %get3A_3, %broadcast_in_dim3A_135 : vector<16xi1>, vector<16xi32>
    %reduce_sum3A_137 = arith.constant true
    %reduce_sum3A_138 = vector.broadcast %reduce_sum3A_137 : i1 to vector<16xi1>
    %reduce_sum3A_139 = tpu.scan <sum>, %select_n3A_136 masked %reduce_sum3A_138 : vector<16xi32>, vector<16xi1> -> vector<16xi32>
    %reduce_sum3A_140 = vector.extract %reduce_sum3A_139[15] : i32 from vector<16xi32>
    %eq3A_141 = arith.constant 14 : i32
    %eq3A_142 = vector.broadcast %eq3A_141 : i32 to vector<16xi32>
    %eq3A_143 = arith.cmpi eq, %iota3A, %eq3A_142 : vector<16xi32>
    %jit3A_144 = arith.constant 0 : i32
    %broadcast_in_dim3A_145 = vector.broadcast %jit3A_144 : i32 to vector<16xi32>
    %select_n3A_146 = arith.select %eq3A_143, %get3A_3, %broadcast_in_dim3A_145 : vector<16xi1>, vector<16xi32>
    %reduce_sum3A_147 = arith.constant true
    %reduce_sum3A_148 = vector.broadcast %reduce_sum3A_147 : i1 to vector<16xi1>
    %reduce_sum3A_149 = tpu.scan <sum>, %select_n3A_146 masked %reduce_sum3A_148 : vector<16xi32>, vector<16xi1> -> vector<16xi32>
    %reduce_sum3A_150 = vector.extract %reduce_sum3A_149[15] : i32 from vector<16xi32>
    %eq3A_151 = arith.constant 15 : i32
    %eq3A_152 = vector.broadcast %eq3A_151 : i32 to vector<16xi32>
    %eq3A_153 = arith.cmpi eq, %iota3A, %eq3A_152 : vector<16xi32>
    %jit3A_154 = arith.constant 0 : i32
    %broadcast_in_dim3A_155 = vector.broadcast %jit3A_154 : i32 to vector<16xi32>
    %select_n3A_156 = arith.select %eq3A_153, %get3A_3, %broadcast_in_dim3A_155 : vector<16xi1>, vector<16xi32>
    %reduce_sum3A_157 = arith.constant true
    %reduce_sum3A_158 = vector.broadcast %reduce_sum3A_157 : i1 to vector<16xi1>
    %reduce_sum3A_159 = tpu.scan <sum>, %select_n3A_156 masked %reduce_sum3A_158 : vector<16xi32>, vector<16xi1> -> vector<16xi32>
    %reduce_sum3A_160 = vector.extract %reduce_sum3A_159[15] : i32 from vector<16xi32>
    %eq3A_161 = arith.constant 0 : i32
    %eq3A_162 = vector.broadcast %eq3A_161 : i32 to vector<16xi32>
    %eq3A_163 = arith.cmpi eq, %iota3A, %eq3A_162 : vector<16xi32>
    %jit3A_164 = arith.constant 0 : i32
    %broadcast_in_dim3A_165 = vector.broadcast %jit3A_164 : i32 to vector<16xi32>
    %select_n3A_166 = arith.select %eq3A_163, %get3A_5, %broadcast_in_dim3A_165 : vector<16xi1>, vector<16xi32>
    %reduce_sum3A_167 = arith.constant true
    %reduce_sum3A_168 = vector.broadcast %reduce_sum3A_167 : i1 to vector<16xi1>
    %reduce_sum3A_169 = tpu.scan <sum>, %select_n3A_166 masked %reduce_sum3A_168 : vector<16xi32>, vector<16xi1> -> vector<16xi32>
    %reduce_sum3A_170 = vector.extract %reduce_sum3A_169[15] : i32 from vector<16xi32>
    %eq3A_171 = arith.constant 1 : i32
    %eq3A_172 = vector.broadcast %eq3A_171 : i32 to vector<16xi32>
    %eq3A_173 = arith.cmpi eq, %iota3A, %eq3A_172 : vector<16xi32>
    %jit3A_174 = arith.constant 0 : i32
    %broadcast_in_dim3A_175 = vector.broadcast %jit3A_174 : i32 to vector<16xi32>
    %select_n3A_176 = arith.select %eq3A_173, %get3A_5, %broadcast_in_dim3A_175 : vector<16xi1>, vector<16xi32>
    %reduce_sum3A_177 = arith.constant true
    %reduce_sum3A_178 = vector.broadcast %reduce_sum3A_177 : i1 to vector<16xi1>
    %reduce_sum3A_179 = tpu.scan <sum>, %select_n3A_176 masked %reduce_sum3A_178 : vector<16xi32>, vector<16xi1> -> vector<16xi32>
    %reduce_sum3A_180 = vector.extract %reduce_sum3A_179[15] : i32 from vector<16xi32>
    %eq3A_181 = arith.constant 2 : i32
    %eq3A_182 = vector.broadcast %eq3A_181 : i32 to vector<16xi32>
    %eq3A_183 = arith.cmpi eq, %iota3A, %eq3A_182 : vector<16xi32>
    %jit3A_184 = arith.constant 0 : i32
    %broadcast_in_dim3A_185 = vector.broadcast %jit3A_184 : i32 to vector<16xi32>
    %select_n3A_186 = arith.select %eq3A_183, %get3A_5, %broadcast_in_dim3A_185 : vector<16xi1>, vector<16xi32>
    %reduce_sum3A_187 = arith.constant true
    %reduce_sum3A_188 = vector.broadcast %reduce_sum3A_187 : i1 to vector<16xi1>
    %reduce_sum3A_189 = tpu.scan <sum>, %select_n3A_186 masked %reduce_sum3A_188 : vector<16xi32>, vector<16xi1> -> vector<16xi32>
    %reduce_sum3A_190 = vector.extract %reduce_sum3A_189[15] : i32 from vector<16xi32>
    %eq3A_191 = arith.constant 3 : i32
    %eq3A_192 = vector.broadcast %eq3A_191 : i32 to vector<16xi32>
    %eq3A_193 = arith.cmpi eq, %iota3A, %eq3A_192 : vector<16xi32>
    %jit3A_194 = arith.constant 0 : i32
    %broadcast_in_dim3A_195 = vector.broadcast %jit3A_194 : i32 to vector<16xi32>
    %select_n3A_196 = arith.select %eq3A_193, %get3A_5, %broadcast_in_dim3A_195 : vector<16xi1>, vector<16xi32>
    %reduce_sum3A_197 = arith.constant true
    %reduce_sum3A_198 = vector.broadcast %reduce_sum3A_197 : i1 to vector<16xi1>
    %reduce_sum3A_199 = tpu.scan <sum>, %select_n3A_196 masked %reduce_sum3A_198 : vector<16xi32>, vector<16xi1> -> vector<16xi32>
    %reduce_sum3A_200 = vector.extract %reduce_sum3A_199[15] : i32 from vector<16xi32>
    %eq3A_201 = arith.constant 4 : i32
    %eq3A_202 = vector.broadcast %eq3A_201 : i32 to vector<16xi32>
    %eq3A_203 = arith.cmpi eq, %iota3A, %eq3A_202 : vector<16xi32>
    %jit3A_204 = arith.constant 0 : i32
    %broadcast_in_dim3A_205 = vector.broadcast %jit3A_204 : i32 to vector<16xi32>
    %select_n3A_206 = arith.select %eq3A_203, %get3A_5, %broadcast_in_dim3A_205 : vector<16xi1>, vector<16xi32>
    %reduce_sum3A_207 = arith.constant true
    %reduce_sum3A_208 = vector.broadcast %reduce_sum3A_207 : i1 to vector<16xi1>
    %reduce_sum3A_209 = tpu.scan <sum>, %select_n3A_206 masked %reduce_sum3A_208 : vector<16xi32>, vector<16xi1> -> vector<16xi32>
    %reduce_sum3A_210 = vector.extract %reduce_sum3A_209[15] : i32 from vector<16xi32>
    %eq3A_211 = arith.constant 5 : i32
    %eq3A_212 = vector.broadcast %eq3A_211 : i32 to vector<16xi32>
    %eq3A_213 = arith.cmpi eq, %iota3A, %eq3A_212 : vector<16xi32>
    %jit3A_214 = arith.constant 0 : i32
    %broadcast_in_dim3A_215 = vector.broadcast %jit3A_214 : i32 to vector<16xi32>
    %select_n3A_216 = arith.select %eq3A_213, %get3A_5, %broadcast_in_dim3A_215 : vector<16xi1>, vector<16xi32>
    %reduce_sum3A_217 = arith.constant true
    %reduce_sum3A_218 = vector.broadcast %reduce_sum3A_217 : i1 to vector<16xi1>
    %reduce_sum3A_219 = tpu.scan <sum>, %select_n3A_216 masked %reduce_sum3A_218 : vector<16xi32>, vector<16xi1> -> vector<16xi32>
    %reduce_sum3A_220 = vector.extract %reduce_sum3A_219[15] : i32 from vector<16xi32>
    %eq3A_221 = arith.constant 6 : i32
    %eq3A_222 = vector.broadcast %eq3A_221 : i32 to vector<16xi32>
    %eq3A_223 = arith.cmpi eq, %iota3A, %eq3A_222 : vector<16xi32>
    %jit3A_224 = arith.constant 0 : i32
    %broadcast_in_dim3A_225 = vector.broadcast %jit3A_224 : i32 to vector<16xi32>
    %select_n3A_226 = arith.select %eq3A_223, %get3A_5, %broadcast_in_dim3A_225 : vector<16xi1>, vector<16xi32>
    %reduce_sum3A_227 = arith.constant true
    %reduce_sum3A_228 = vector.broadcast %reduce_sum3A_227 : i1 to vector<16xi1>
    %reduce_sum3A_229 = tpu.scan <sum>, %select_n3A_226 masked %reduce_sum3A_228 : vector<16xi32>, vector<16xi1> -> vector<16xi32>
    %reduce_sum3A_230 = vector.extract %reduce_sum3A_229[15] : i32 from vector<16xi32>
    %eq3A_231 = arith.constant 7 : i32
    %eq3A_232 = vector.broadcast %eq3A_231 : i32 to vector<16xi32>
    %eq3A_233 = arith.cmpi eq, %iota3A, %eq3A_232 : vector<16xi32>
    %jit3A_234 = arith.constant 0 : i32
    %broadcast_in_dim3A_235 = vector.broadcast %jit3A_234 : i32 to vector<16xi32>
    %select_n3A_236 = arith.select %eq3A_233, %get3A_5, %broadcast_in_dim3A_235 : vector<16xi1>, vector<16xi32>
    %reduce_sum3A_237 = arith.constant true
    %reduce_sum3A_238 = vector.broadcast %reduce_sum3A_237 : i1 to vector<16xi1>
    %reduce_sum3A_239 = tpu.scan <sum>, %select_n3A_236 masked %reduce_sum3A_238 : vector<16xi32>, vector<16xi1> -> vector<16xi32>
    %reduce_sum3A_240 = vector.extract %reduce_sum3A_239[15] : i32 from vector<16xi32>
    %eq3A_241 = arith.constant 8 : i32
    %eq3A_242 = vector.broadcast %eq3A_241 : i32 to vector<16xi32>
    %eq3A_243 = arith.cmpi eq, %iota3A, %eq3A_242 : vector<16xi32>
    %jit3A_244 = arith.constant 0 : i32
    %broadcast_in_dim3A_245 = vector.broadcast %jit3A_244 : i32 to vector<16xi32>
    %select_n3A_246 = arith.select %eq3A_243, %get3A_5, %broadcast_in_dim3A_245 : vector<16xi1>, vector<16xi32>
    %reduce_sum3A_247 = arith.constant true
    %reduce_sum3A_248 = vector.broadcast %reduce_sum3A_247 : i1 to vector<16xi1>
    %reduce_sum3A_249 = tpu.scan <sum>, %select_n3A_246 masked %reduce_sum3A_248 : vector<16xi32>, vector<16xi1> -> vector<16xi32>
    %reduce_sum3A_250 = vector.extract %reduce_sum3A_249[15] : i32 from vector<16xi32>
    %eq3A_251 = arith.constant 9 : i32
    %eq3A_252 = vector.broadcast %eq3A_251 : i32 to vector<16xi32>
    %eq3A_253 = arith.cmpi eq, %iota3A, %eq3A_252 : vector<16xi32>
    %jit3A_254 = arith.constant 0 : i32
    %broadcast_in_dim3A_255 = vector.broadcast %jit3A_254 : i32 to vector<16xi32>
    %select_n3A_256 = arith.select %eq3A_253, %get3A_5, %broadcast_in_dim3A_255 : vector<16xi1>, vector<16xi32>
    %reduce_sum3A_257 = arith.constant true
    %reduce_sum3A_258 = vector.broadcast %reduce_sum3A_257 : i1 to vector<16xi1>
    %reduce_sum3A_259 = tpu.scan <sum>, %select_n3A_256 masked %reduce_sum3A_258 : vector<16xi32>, vector<16xi1> -> vector<16xi32>
    %reduce_sum3A_260 = vector.extract %reduce_sum3A_259[15] : i32 from vector<16xi32>
    %eq3A_261 = arith.constant 10 : i32
    %eq3A_262 = vector.broadcast %eq3A_261 : i32 to vector<16xi32>
    %eq3A_263 = arith.cmpi eq, %iota3A, %eq3A_262 : vector<16xi32>
    %jit3A_264 = arith.constant 0 : i32
    %broadcast_in_dim3A_265 = vector.broadcast %jit3A_264 : i32 to vector<16xi32>
    %select_n3A_266 = arith.select %eq3A_263, %get3A_5, %broadcast_in_dim3A_265 : vector<16xi1>, vector<16xi32>
    %reduce_sum3A_267 = arith.constant true
    %reduce_sum3A_268 = vector.broadcast %reduce_sum3A_267 : i1 to vector<16xi1>
    %reduce_sum3A_269 = tpu.scan <sum>, %select_n3A_266 masked %reduce_sum3A_268 : vector<16xi32>, vector<16xi1> -> vector<16xi32>
    %reduce_sum3A_270 = vector.extract %reduce_sum3A_269[15] : i32 from vector<16xi32>
    %eq3A_271 = arith.constant 11 : i32
    %eq3A_272 = vector.broadcast %eq3A_271 : i32 to vector<16xi32>
    %eq3A_273 = arith.cmpi eq, %iota3A, %eq3A_272 : vector<16xi32>
    %jit3A_274 = arith.constant 0 : i32
    %broadcast_in_dim3A_275 = vector.broadcast %jit3A_274 : i32 to vector<16xi32>
    %select_n3A_276 = arith.select %eq3A_273, %get3A_5, %broadcast_in_dim3A_275 : vector<16xi1>, vector<16xi32>
    %reduce_sum3A_277 = arith.constant true
    %reduce_sum3A_278 = vector.broadcast %reduce_sum3A_277 : i1 to vector<16xi1>
    %reduce_sum3A_279 = tpu.scan <sum>, %select_n3A_276 masked %reduce_sum3A_278 : vector<16xi32>, vector<16xi1> -> vector<16xi32>
    %reduce_sum3A_280 = vector.extract %reduce_sum3A_279[15] : i32 from vector<16xi32>
    %eq3A_281 = arith.constant 12 : i32
    %eq3A_282 = vector.broadcast %eq3A_281 : i32 to vector<16xi32>
    %eq3A_283 = arith.cmpi eq, %iota3A, %eq3A_282 : vector<16xi32>
    %jit3A_284 = arith.constant 0 : i32
    %broadcast_in_dim3A_285 = vector.broadcast %jit3A_284 : i32 to vector<16xi32>
    %select_n3A_286 = arith.select %eq3A_283, %get3A_5, %broadcast_in_dim3A_285 : vector<16xi1>, vector<16xi32>
    %reduce_sum3A_287 = arith.constant true
    %reduce_sum3A_288 = vector.broadcast %reduce_sum3A_287 : i1 to vector<16xi1>
    %reduce_sum3A_289 = tpu.scan <sum>, %select_n3A_286 masked %reduce_sum3A_288 : vector<16xi32>, vector<16xi1> -> vector<16xi32>
    %reduce_sum3A_290 = vector.extract %reduce_sum3A_289[15] : i32 from vector<16xi32>
    %eq3A_291 = arith.constant 13 : i32
    %eq3A_292 = vector.broadcast %eq3A_291 : i32 to vector<16xi32>
    %eq3A_293 = arith.cmpi eq, %iota3A, %eq3A_292 : vector<16xi32>
    %jit3A_294 = arith.constant 0 : i32
    %broadcast_in_dim3A_295 = vector.broadcast %jit3A_294 : i32 to vector<16xi32>
    %select_n3A_296 = arith.select %eq3A_293, %get3A_5, %broadcast_in_dim3A_295 : vector<16xi1>, vector<16xi32>
    %reduce_sum3A_297 = arith.constant true
    %reduce_sum3A_298 = vector.broadcast %reduce_sum3A_297 : i1 to vector<16xi1>
    %reduce_sum3A_299 = tpu.scan <sum>, %select_n3A_296 masked %reduce_sum3A_298 : vector<16xi32>, vector<16xi1> -> vector<16xi32>
    %reduce_sum3A_300 = vector.extract %reduce_sum3A_299[15] : i32 from vector<16xi32>
    %eq3A_301 = arith.constant 14 : i32
    %eq3A_302 = vector.broadcast %eq3A_301 : i32 to vector<16xi32>
    %eq3A_303 = arith.cmpi eq, %iota3A, %eq3A_302 : vector<16xi32>
    %jit3A_304 = arith.constant 0 : i32
    %broadcast_in_dim3A_305 = vector.broadcast %jit3A_304 : i32 to vector<16xi32>
    %select_n3A_306 = arith.select %eq3A_303, %get3A_5, %broadcast_in_dim3A_305 : vector<16xi1>, vector<16xi32>
    %reduce_sum3A_307 = arith.constant true
    %reduce_sum3A_308 = vector.broadcast %reduce_sum3A_307 : i1 to vector<16xi1>
    %reduce_sum3A_309 = tpu.scan <sum>, %select_n3A_306 masked %reduce_sum3A_308 : vector<16xi32>, vector<16xi1> -> vector<16xi32>
    %reduce_sum3A_310 = vector.extract %reduce_sum3A_309[15] : i32 from vector<16xi32>
    %eq3A_311 = arith.constant 15 : i32
    %eq3A_312 = vector.broadcast %eq3A_311 : i32 to vector<16xi32>
    %eq3A_313 = arith.cmpi eq, %iota3A, %eq3A_312 : vector<16xi32>
    %jit3A_314 = arith.constant 0 : i32
    %broadcast_in_dim3A_315 = vector.broadcast %jit3A_314 : i32 to vector<16xi32>
    %select_n3A_316 = arith.select %eq3A_313, %get3A_5, %broadcast_in_dim3A_315 : vector<16xi1>, vector<16xi32>
    %reduce_sum3A_317 = arith.constant true
    %reduce_sum3A_318 = vector.broadcast %reduce_sum3A_317 : i1 to vector<16xi1>
    %reduce_sum3A_319 = tpu.scan <sum>, %select_n3A_316 masked %reduce_sum3A_318 : vector<16xi32>, vector<16xi1> -> vector<16xi32>
    %reduce_sum3A_320 = vector.extract %reduce_sum3A_319[15] : i32 from vector<16xi32>
    %ne3A = arith.cmpi ne, %reduce_sum3A_20, %reduce_sum3A_10 : i32
    %ne3A_321 = arith.cmpi ne, %reduce_sum3A_30, %reduce_sum3A_20 : i32
    %ne3A_322 = arith.cmpi ne, %reduce_sum3A_40, %reduce_sum3A_30 : i32
    %ne3A_323 = arith.cmpi ne, %reduce_sum3A_50, %reduce_sum3A_40 : i32
    %ne3A_324 = arith.cmpi ne, %reduce_sum3A_60, %reduce_sum3A_50 : i32
    %ne3A_325 = arith.cmpi ne, %reduce_sum3A_70, %reduce_sum3A_60 : i32
    %ne3A_326 = arith.cmpi ne, %reduce_sum3A_80, %reduce_sum3A_70 : i32
    %ne3A_327 = arith.cmpi ne, %reduce_sum3A_90, %reduce_sum3A_80 : i32
    %ne3A_328 = arith.cmpi ne, %reduce_sum3A_100, %reduce_sum3A_90 : i32
    %ne3A_329 = arith.cmpi ne, %reduce_sum3A_110, %reduce_sum3A_100 : i32
    %ne3A_330 = arith.cmpi ne, %reduce_sum3A_120, %reduce_sum3A_110 : i32
    %ne3A_331 = arith.cmpi ne, %reduce_sum3A_130, %reduce_sum3A_120 : i32
    %ne3A_332 = arith.cmpi ne, %reduce_sum3A_140, %reduce_sum3A_130 : i32
    %ne3A_333 = arith.cmpi ne, %reduce_sum3A_150, %reduce_sum3A_140 : i32
    %ne3A_334 = arith.cmpi ne, %reduce_sum3A_160, %reduce_sum3A_150 : i32
    %jit3A_335 = arith.constant 1 : i32
    %jit3A_336 = arith.constant 0 : i32
    %select_n3A_337 = arith.select %ne3A, %jit3A_335, %jit3A_336 : i32
    %add3A_338 = arith.constant 0 : i32
    %add3A_339 = arith.addi %add3A_338, %select_n3A_337 : i32
    %jit3A_340 = arith.constant 1 : i32
    %jit3A_341 = arith.constant 0 : i32
    %select_n3A_342 = arith.select %ne3A_321, %jit3A_340, %jit3A_341 : i32
    %add3A_343 = arith.addi %add3A_339, %select_n3A_342 : i32
    %jit3A_344 = arith.constant 1 : i32
    %jit3A_345 = arith.constant 0 : i32
    %select_n3A_346 = arith.select %ne3A_322, %jit3A_344, %jit3A_345 : i32
    %add3A_347 = arith.addi %add3A_343, %select_n3A_346 : i32
    %jit3A_348 = arith.constant 1 : i32
    %jit3A_349 = arith.constant 0 : i32
    %select_n3A_350 = arith.select %ne3A_323, %jit3A_348, %jit3A_349 : i32
    %add3A_351 = arith.addi %add3A_347, %select_n3A_350 : i32
    %jit3A_352 = arith.constant 1 : i32
    %jit3A_353 = arith.constant 0 : i32
    %select_n3A_354 = arith.select %ne3A_324, %jit3A_352, %jit3A_353 : i32
    %add3A_355 = arith.addi %add3A_351, %select_n3A_354 : i32
    %jit3A_356 = arith.constant 1 : i32
    %jit3A_357 = arith.constant 0 : i32
    %select_n3A_358 = arith.select %ne3A_325, %jit3A_356, %jit3A_357 : i32
    %add3A_359 = arith.addi %add3A_355, %select_n3A_358 : i32
    %jit3A_360 = arith.constant 1 : i32
    %jit3A_361 = arith.constant 0 : i32
    %select_n3A_362 = arith.select %ne3A_326, %jit3A_360, %jit3A_361 : i32
    %add3A_363 = arith.addi %add3A_359, %select_n3A_362 : i32
    %jit3A_364 = arith.constant 1 : i32
    %jit3A_365 = arith.constant 0 : i32
    %select_n3A_366 = arith.select %ne3A_327, %jit3A_364, %jit3A_365 : i32
    %add3A_367 = arith.addi %add3A_363, %select_n3A_366 : i32
    %jit3A_368 = arith.constant 1 : i32
    %jit3A_369 = arith.constant 0 : i32
    %select_n3A_370 = arith.select %ne3A_328, %jit3A_368, %jit3A_369 : i32
    %add3A_371 = arith.addi %add3A_367, %select_n3A_370 : i32
    %jit3A_372 = arith.constant 1 : i32
    %jit3A_373 = arith.constant 0 : i32
    %select_n3A_374 = arith.select %ne3A_329, %jit3A_372, %jit3A_373 : i32
    %add3A_375 = arith.addi %add3A_371, %select_n3A_374 : i32
    %jit3A_376 = arith.constant 1 : i32
    %jit3A_377 = arith.constant 0 : i32
    %select_n3A_378 = arith.select %ne3A_330, %jit3A_376, %jit3A_377 : i32
    %add3A_379 = arith.addi %add3A_375, %select_n3A_378 : i32
    %jit3A_380 = arith.constant 1 : i32
    %jit3A_381 = arith.constant 0 : i32
    %select_n3A_382 = arith.select %ne3A_331, %jit3A_380, %jit3A_381 : i32
    %add3A_383 = arith.addi %add3A_379, %select_n3A_382 : i32
    %jit3A_384 = arith.constant 1 : i32
    %jit3A_385 = arith.constant 0 : i32
    %select_n3A_386 = arith.select %ne3A_332, %jit3A_384, %jit3A_385 : i32
    %add3A_387 = arith.addi %add3A_383, %select_n3A_386 : i32
    %jit3A_388 = arith.constant 1 : i32
    %jit3A_389 = arith.constant 0 : i32
    %select_n3A_390 = arith.select %ne3A_333, %jit3A_388, %jit3A_389 : i32
    %add3A_391 = arith.addi %add3A_387, %select_n3A_390 : i32
    %jit3A_392 = arith.constant 1 : i32
    %jit3A_393 = arith.constant 0 : i32
    %select_n3A_394 = arith.select %ne3A_334, %jit3A_392, %jit3A_393 : i32
    %add3A_395 = arith.addi %add3A_391, %select_n3A_394 : i32
    %rem3A = arith.constant 0 : i32
    %rem3A_396 = arith.constant 2 : i32
    %rem3A_397 = arith.remsi %rem3A, %rem3A_396 : i32
    %eq3A_398 = arith.constant 0 : i32
    %eq3A_399 = arith.cmpi eq, %rem3A_397, %eq3A_398 : i32
    %rem3A_400 = arith.constant 2 : i32
    %rem3A_401 = arith.remsi %add3A_339, %rem3A_400 : i32
    %eq3A_402 = arith.constant 0 : i32
    %eq3A_403 = arith.cmpi eq, %rem3A_401, %eq3A_402 : i32
    %rem3A_404 = arith.constant 2 : i32
    %rem3A_405 = arith.remsi %add3A_343, %rem3A_404 : i32
    %eq3A_406 = arith.constant 0 : i32
    %eq3A_407 = arith.cmpi eq, %rem3A_405, %eq3A_406 : i32
    %rem3A_408 = arith.constant 2 : i32
    %rem3A_409 = arith.remsi %add3A_347, %rem3A_408 : i32
    %eq3A_410 = arith.constant 0 : i32
    %eq3A_411 = arith.cmpi eq, %rem3A_409, %eq3A_410 : i32
    %rem3A_412 = arith.constant 2 : i32
    %rem3A_413 = arith.remsi %add3A_351, %rem3A_412 : i32
    %eq3A_414 = arith.constant 0 : i32
    %eq3A_415 = arith.cmpi eq, %rem3A_413, %eq3A_414 : i32
    %rem3A_416 = arith.constant 2 : i32
    %rem3A_417 = arith.remsi %add3A_355, %rem3A_416 : i32
    %eq3A_418 = arith.constant 0 : i32
    %eq3A_419 = arith.cmpi eq, %rem3A_417, %eq3A_418 : i32
    %rem3A_420 = arith.constant 2 : i32
    %rem3A_421 = arith.remsi %add3A_359, %rem3A_420 : i32
    %eq3A_422 = arith.constant 0 : i32
    %eq3A_423 = arith.cmpi eq, %rem3A_421, %eq3A_422 : i32
    %rem3A_424 = arith.constant 2 : i32
    %rem3A_425 = arith.remsi %add3A_363, %rem3A_424 : i32
    %eq3A_426 = arith.constant 0 : i32
    %eq3A_427 = arith.cmpi eq, %rem3A_425, %eq3A_426 : i32
    %rem3A_428 = arith.constant 2 : i32
    %rem3A_429 = arith.remsi %add3A_367, %rem3A_428 : i32
    %eq3A_430 = arith.constant 0 : i32
    %eq3A_431 = arith.cmpi eq, %rem3A_429, %eq3A_430 : i32
    %rem3A_432 = arith.constant 2 : i32
    %rem3A_433 = arith.remsi %add3A_371, %rem3A_432 : i32
    %eq3A_434 = arith.constant 0 : i32
    %eq3A_435 = arith.cmpi eq, %rem3A_433, %eq3A_434 : i32
    %rem3A_436 = arith.constant 2 : i32
    %rem3A_437 = arith.remsi %add3A_375, %rem3A_436 : i32
    %eq3A_438 = arith.constant 0 : i32
    %eq3A_439 = arith.cmpi eq, %rem3A_437, %eq3A_438 : i32
    %rem3A_440 = arith.constant 2 : i32
    %rem3A_441 = arith.remsi %add3A_379, %rem3A_440 : i32
    %eq3A_442 = arith.constant 0 : i32
    %eq3A_443 = arith.cmpi eq, %rem3A_441, %eq3A_442 : i32
    %rem3A_444 = arith.constant 2 : i32
    %rem3A_445 = arith.remsi %add3A_383, %rem3A_444 : i32
    %eq3A_446 = arith.constant 0 : i32
    %eq3A_447 = arith.cmpi eq, %rem3A_445, %eq3A_446 : i32
    %rem3A_448 = arith.constant 2 : i32
    %rem3A_449 = arith.remsi %add3A_387, %rem3A_448 : i32
    %eq3A_450 = arith.constant 0 : i32
    %eq3A_451 = arith.cmpi eq, %rem3A_449, %eq3A_450 : i32
    %rem3A_452 = arith.constant 2 : i32
    %rem3A_453 = arith.remsi %add3A_391, %rem3A_452 : i32
    %eq3A_454 = arith.constant 0 : i32
    %eq3A_455 = arith.cmpi eq, %rem3A_453, %eq3A_454 : i32
    %rem3A_456 = arith.constant 2 : i32
    %rem3A_457 = arith.remsi %add3A_395, %rem3A_456 : i32
    %eq3A_458 = arith.constant 0 : i32
    %eq3A_459 = arith.cmpi eq, %rem3A_457, %eq3A_458 : i32
    %dma_start3A = arith.constant 0 : i32
    %dma_start3A_460 = tpu.memref_slice %arg2[%reduce_sum3A_10, %dma_start3A] : memref<128x49152xf32, #tpu.memory_space<hbm>> -> memref<1x49152xf32, #tpu.memory_space<hbm>>
    %dma_start3A_461 = arith.constant 0 : i32
    %dma_start3A_462 = tpu.memref_slice %arg2[%reduce_sum3A_10, %dma_start3A_461] : memref<128x49152xf32, #tpu.memory_space<hbm>> -> memref<1x49152xf32, #tpu.memory_space<hbm>>
    tpu.enqueue_dma source(%dma_start3A_462 : memref<1x49152xf32, #tpu.memory_space<hbm>>) target(%arg8 : memref<1x49152xf32, #tpu.memory_space<vmem>>) target_semaphore(%arg10 : memref<!tpu.dma_semaphore, #tpu.memory_space<semaphore_mem>>)
    %dma_wait3A = arith.constant 0 : i32
    %dma_wait3A_463 = tpu.memref_slice %arg2[%reduce_sum3A_10, %dma_wait3A] : memref<128x49152xf32, #tpu.memory_space<hbm>> -> memref<1x49152xf32, #tpu.memory_space<hbm>>
    %dma_wait3A_464 = arith.constant 0 : i32
    %dma_wait3A_465 = tpu.memref_slice %arg2[%reduce_sum3A_10, %dma_wait3A_464] : memref<128x49152xf32, #tpu.memory_space<hbm>> -> memref<1x49152xf32, #tpu.memory_space<hbm>>
    tpu.wait_dma2 semaphore(%arg10 : memref<!tpu.dma_semaphore, #tpu.memory_space<semaphore_mem>>) src(%dma_wait3A_465 : memref<1x49152xf32, #tpu.memory_space<hbm>>) dst(%arg8 : memref<1x49152xf32, #tpu.memory_space<vmem>>)
    %convert_element_type3A = arith.extui %eq3A_399 : i1 to i32
    %cond3A = arith.constant 0 : i32
    %cond3A_466 = arith.cmpi ne, %convert_element_type3A, %cond3A : i32
    scf.if %cond3A_466 {
      %dma_start3A_804 = arith.constant 0 : i32
      %dma_start3A_805 = tpu.memref_slice %arg5[%reduce_sum3A_170, %dma_start3A_804] : memref<512x49152xf32, #tpu.memory_space<hbm>> -> memref<1x49152xf32, #tpu.memory_space<hbm>>
      %dma_start3A_806 = arith.constant 0 : i32
      %dma_start3A_807 = tpu.memref_slice %arg5[%reduce_sum3A_170, %dma_start3A_806] : memref<512x49152xf32, #tpu.memory_space<hbm>> -> memref<1x49152xf32, #tpu.memory_space<hbm>>
      tpu.enqueue_dma source(%arg8 : memref<1x49152xf32, #tpu.memory_space<vmem>>) target(%dma_start3A_807 : memref<1x49152xf32, #tpu.memory_space<hbm>>) target_semaphore(%arg11 : memref<!tpu.dma_semaphore, #tpu.memory_space<semaphore_mem>>)
    } else {
    }
    %not3A = arith.constant true
    %not3A_467 = arith.xori %eq3A_399, %not3A : i1
    %convert_element_type3A_468 = arith.extui %not3A_467 : i1 to i32
    %cond3A_469 = arith.constant 0 : i32
    %cond3A_470 = arith.cmpi ne, %convert_element_type3A_468, %cond3A_469 : i32
    scf.if %cond3A_470 {
      %dma_start3A_804 = arith.constant 0 : i32
      %dma_start3A_805 = tpu.memref_slice %arg5[%reduce_sum3A_170, %dma_start3A_804] : memref<512x49152xf32, #tpu.memory_space<hbm>> -> memref<1x49152xf32, #tpu.memory_space<hbm>>
      %dma_start3A_806 = arith.constant 0 : i32
      %dma_start3A_807 = tpu.memref_slice %arg5[%reduce_sum3A_170, %dma_start3A_806] : memref<512x49152xf32, #tpu.memory_space<hbm>> -> memref<1x49152xf32, #tpu.memory_space<hbm>>
      tpu.enqueue_dma source(%arg9 : memref<1x49152xf32, #tpu.memory_space<vmem>>) target(%dma_start3A_807 : memref<1x49152xf32, #tpu.memory_space<hbm>>) target_semaphore(%arg11 : memref<!tpu.dma_semaphore, #tpu.memory_space<semaphore_mem>>)
    } else {
    }
    %and3A = arith.andi %ne3A, %eq3A_403 : i1
    %convert_element_type3A_471 = arith.extui %and3A : i1 to i32
    %cond3A_472 = arith.constant 0 : i32
    %cond3A_473 = arith.cmpi ne, %convert_element_type3A_471, %cond3A_472 : i32
    scf.if %cond3A_473 {
      %dma_start3A_804 = arith.constant 0 : i32
      %dma_start3A_805 = tpu.memref_slice %arg2[%reduce_sum3A_20, %dma_start3A_804] : memref<128x49152xf32, #tpu.memory_space<hbm>> -> memref<1x49152xf32, #tpu.memory_space<hbm>>
      %dma_start3A_806 = arith.constant 0 : i32
      %dma_start3A_807 = tpu.memref_slice %arg2[%reduce_sum3A_20, %dma_start3A_806] : memref<128x49152xf32, #tpu.memory_space<hbm>> -> memref<1x49152xf32, #tpu.memory_space<hbm>>
      tpu.enqueue_dma source(%dma_start3A_807 : memref<1x49152xf32, #tpu.memory_space<hbm>>) target(%arg8 : memref<1x49152xf32, #tpu.memory_space<vmem>>) target_semaphore(%arg10 : memref<!tpu.dma_semaphore, #tpu.memory_space<semaphore_mem>>)
      %dma_wait3A_808 = arith.constant 0 : i32
      %dma_wait3A_809 = tpu.memref_slice %arg2[%reduce_sum3A_20, %dma_wait3A_808] : memref<128x49152xf32, #tpu.memory_space<hbm>> -> memref<1x49152xf32, #tpu.memory_space<hbm>>
      %dma_wait3A_810 = arith.constant 0 : i32
      %dma_wait3A_811 = tpu.memref_slice %arg2[%reduce_sum3A_20, %dma_wait3A_810] : memref<128x49152xf32, #tpu.memory_space<hbm>> -> memref<1x49152xf32, #tpu.memory_space<hbm>>
      tpu.wait_dma2 semaphore(%arg10 : memref<!tpu.dma_semaphore, #tpu.memory_space<semaphore_mem>>) src(%dma_wait3A_811 : memref<1x49152xf32, #tpu.memory_space<hbm>>) dst(%arg8 : memref<1x49152xf32, #tpu.memory_space<vmem>>)
    } else {
    }
    %not3A_474 = arith.constant true
    %not3A_475 = arith.xori %eq3A_403, %not3A_474 : i1
    %and3A_476 = arith.andi %ne3A, %not3A_475 : i1
    %convert_element_type3A_477 = arith.extui %and3A_476 : i1 to i32
    %cond3A_478 = arith.constant 0 : i32
    %cond3A_479 = arith.cmpi ne, %convert_element_type3A_477, %cond3A_478 : i32
    scf.if %cond3A_479 {
      %dma_start3A_804 = arith.constant 0 : i32
      %dma_start3A_805 = tpu.memref_slice %arg2[%reduce_sum3A_20, %dma_start3A_804] : memref<128x49152xf32, #tpu.memory_space<hbm>> -> memref<1x49152xf32, #tpu.memory_space<hbm>>
      %dma_start3A_806 = arith.constant 0 : i32
      %dma_start3A_807 = tpu.memref_slice %arg2[%reduce_sum3A_20, %dma_start3A_806] : memref<128x49152xf32, #tpu.memory_space<hbm>> -> memref<1x49152xf32, #tpu.memory_space<hbm>>
      tpu.enqueue_dma source(%dma_start3A_807 : memref<1x49152xf32, #tpu.memory_space<hbm>>) target(%arg9 : memref<1x49152xf32, #tpu.memory_space<vmem>>) target_semaphore(%arg10 : memref<!tpu.dma_semaphore, #tpu.memory_space<semaphore_mem>>)
      %dma_wait3A_808 = arith.constant 0 : i32
      %dma_wait3A_809 = tpu.memref_slice %arg2[%reduce_sum3A_20, %dma_wait3A_808] : memref<128x49152xf32, #tpu.memory_space<hbm>> -> memref<1x49152xf32, #tpu.memory_space<hbm>>
      %dma_wait3A_810 = arith.constant 0 : i32
      %dma_wait3A_811 = tpu.memref_slice %arg2[%reduce_sum3A_20, %dma_wait3A_810] : memref<128x49152xf32, #tpu.memory_space<hbm>> -> memref<1x49152xf32, #tpu.memory_space<hbm>>
      tpu.wait_dma2 semaphore(%arg10 : memref<!tpu.dma_semaphore, #tpu.memory_space<semaphore_mem>>) src(%dma_wait3A_811 : memref<1x49152xf32, #tpu.memory_space<hbm>>) dst(%arg9 : memref<1x49152xf32, #tpu.memory_space<vmem>>)
    } else {
    }
    %convert_element_type3A_480 = arith.extui %eq3A_403 : i1 to i32
    %cond3A_481 = arith.constant 0 : i32
    %cond3A_482 = arith.cmpi ne, %convert_element_type3A_480, %cond3A_481 : i32
    scf.if %cond3A_482 {
      %dma_start3A_804 = arith.constant 0 : i32
      %dma_start3A_805 = tpu.memref_slice %arg5[%reduce_sum3A_180, %dma_start3A_804] : memref<512x49152xf32, #tpu.memory_space<hbm>> -> memref<1x49152xf32, #tpu.memory_space<hbm>>
      %dma_start3A_806 = arith.constant 0 : i32
      %dma_start3A_807 = tpu.memref_slice %arg5[%reduce_sum3A_180, %dma_start3A_806] : memref<512x49152xf32, #tpu.memory_space<hbm>> -> memref<1x49152xf32, #tpu.memory_space<hbm>>
      tpu.enqueue_dma source(%arg8 : memref<1x49152xf32, #tpu.memory_space<vmem>>) target(%dma_start3A_807 : memref<1x49152xf32, #tpu.memory_space<hbm>>) target_semaphore(%arg12 : memref<!tpu.dma_semaphore, #tpu.memory_space<semaphore_mem>>)
    } else {
    }
    %not3A_483 = arith.constant true
    %not3A_484 = arith.xori %eq3A_403, %not3A_483 : i1
    %convert_element_type3A_485 = arith.extui %not3A_484 : i1 to i32
    %cond3A_486 = arith.constant 0 : i32
    %cond3A_487 = arith.cmpi ne, %convert_element_type3A_485, %cond3A_486 : i32
    scf.if %cond3A_487 {
      %dma_start3A_804 = arith.constant 0 : i32
      %dma_start3A_805 = tpu.memref_slice %arg5[%reduce_sum3A_180, %dma_start3A_804] : memref<512x49152xf32, #tpu.memory_space<hbm>> -> memref<1x49152xf32, #tpu.memory_space<hbm>>
      %dma_start3A_806 = arith.constant 0 : i32
      %dma_start3A_807 = tpu.memref_slice %arg5[%reduce_sum3A_180, %dma_start3A_806] : memref<512x49152xf32, #tpu.memory_space<hbm>> -> memref<1x49152xf32, #tpu.memory_space<hbm>>
      tpu.enqueue_dma source(%arg9 : memref<1x49152xf32, #tpu.memory_space<vmem>>) target(%dma_start3A_807 : memref<1x49152xf32, #tpu.memory_space<hbm>>) target_semaphore(%arg12 : memref<!tpu.dma_semaphore, #tpu.memory_space<semaphore_mem>>)
    } else {
    }
    %dma_wait3A_488 = arith.constant 0 : i32
    %dma_wait3A_489 = tpu.memref_slice %arg5[%reduce_sum3A_170, %dma_wait3A_488] : memref<512x49152xf32, #tpu.memory_space<hbm>> -> memref<1x49152xf32, #tpu.memory_space<hbm>>
    %dma_wait3A_490 = arith.constant 0 : i32
    %dma_wait3A_491 = tpu.memref_slice %arg5[%reduce_sum3A_170, %dma_wait3A_490] : memref<512x49152xf32, #tpu.memory_space<hbm>> -> memref<1x49152xf32, #tpu.memory_space<hbm>>
    tpu.wait_dma2 semaphore(%arg11 : memref<!tpu.dma_semaphore, #tpu.memory_space<semaphore_mem>>) src(%arg8 : memref<1x49152xf32, #tpu.memory_space<vmem>>) dst(%dma_wait3A_491 : memref<1x49152xf32, #tpu.memory_space<hbm>>)
    %and3A_492 = arith.andi %ne3A_321, %eq3A_407 : i1
    %convert_element_type3A_493 = arith.extui %and3A_492 : i1 to i32
    %cond3A_494 = arith.constant 0 : i32
    %cond3A_495 = arith.cmpi ne, %convert_element_type3A_493, %cond3A_494 : i32
    scf.if %cond3A_495 {
      %dma_start3A_804 = arith.constant 0 : i32
      %dma_start3A_805 = tpu.memref_slice %arg2[%reduce_sum3A_30, %dma_start3A_804] : memref<128x49152xf32, #tpu.memory_space<hbm>> -> memref<1x49152xf32, #tpu.memory_space<hbm>>
      %dma_start3A_806 = arith.constant 0 : i32
      %dma_start3A_807 = tpu.memref_slice %arg2[%reduce_sum3A_30, %dma_start3A_806] : memref<128x49152xf32, #tpu.memory_space<hbm>> -> memref<1x49152xf32, #tpu.memory_space<hbm>>
      tpu.enqueue_dma source(%dma_start3A_807 : memref<1x49152xf32, #tpu.memory_space<hbm>>) target(%arg8 : memref<1x49152xf32, #tpu.memory_space<vmem>>) target_semaphore(%arg10 : memref<!tpu.dma_semaphore, #tpu.memory_space<semaphore_mem>>)
      %dma_wait3A_808 = arith.constant 0 : i32
      %dma_wait3A_809 = tpu.memref_slice %arg2[%reduce_sum3A_30, %dma_wait3A_808] : memref<128x49152xf32, #tpu.memory_space<hbm>> -> memref<1x49152xf32, #tpu.memory_space<hbm>>
      %dma_wait3A_810 = arith.constant 0 : i32
      %dma_wait3A_811 = tpu.memref_slice %arg2[%reduce_sum3A_30, %dma_wait3A_810] : memref<128x49152xf32, #tpu.memory_space<hbm>> -> memref<1x49152xf32, #tpu.memory_space<hbm>>
      tpu.wait_dma2 semaphore(%arg10 : memref<!tpu.dma_semaphore, #tpu.memory_space<semaphore_mem>>) src(%dma_wait3A_811 : memref<1x49152xf32, #tpu.memory_space<hbm>>) dst(%arg8 : memref<1x49152xf32, #tpu.memory_space<vmem>>)
    } else {
    }
    %not3A_496 = arith.constant true
    %not3A_497 = arith.xori %eq3A_407, %not3A_496 : i1
    %and3A_498 = arith.andi %ne3A_321, %not3A_497 : i1
    %convert_element_type3A_499 = arith.extui %and3A_498 : i1 to i32
    %cond3A_500 = arith.constant 0 : i32
    %cond3A_501 = arith.cmpi ne, %convert_element_type3A_499, %cond3A_500 : i32
    scf.if %cond3A_501 {
      %dma_start3A_804 = arith.constant 0 : i32
      %dma_start3A_805 = tpu.memref_slice %arg2[%reduce_sum3A_30, %dma_start3A_804] : memref<128x49152xf32, #tpu.memory_space<hbm>> -> memref<1x49152xf32, #tpu.memory_space<hbm>>
      %dma_start3A_806 = arith.constant 0 : i32
      %dma_start3A_807 = tpu.memref_slice %arg2[%reduce_sum3A_30, %dma_start3A_806] : memref<128x49152xf32, #tpu.memory_space<hbm>> -> memref<1x49152xf32, #tpu.memory_space<hbm>>
      tpu.enqueue_dma source(%dma_start3A_807 : memref<1x49152xf32, #tpu.memory_space<hbm>>) target(%arg9 : memref<1x49152xf32, #tpu.memory_space<vmem>>) target_semaphore(%arg10 : memref<!tpu.dma_semaphore, #tpu.memory_space<semaphore_mem>>)
      %dma_wait3A_808 = arith.constant 0 : i32
      %dma_wait3A_809 = tpu.memref_slice %arg2[%reduce_sum3A_30, %dma_wait3A_808] : memref<128x49152xf32, #tpu.memory_space<hbm>> -> memref<1x49152xf32, #tpu.memory_space<hbm>>
      %dma_wait3A_810 = arith.constant 0 : i32
      %dma_wait3A_811 = tpu.memref_slice %arg2[%reduce_sum3A_30, %dma_wait3A_810] : memref<128x49152xf32, #tpu.memory_space<hbm>> -> memref<1x49152xf32, #tpu.memory_space<hbm>>
      tpu.wait_dma2 semaphore(%arg10 : memref<!tpu.dma_semaphore, #tpu.memory_space<semaphore_mem>>) src(%dma_wait3A_811 : memref<1x49152xf32, #tpu.memory_space<hbm>>) dst(%arg9 : memref<1x49152xf32, #tpu.memory_space<vmem>>)
    } else {
    }
    %convert_element_type3A_502 = arith.extui %eq3A_407 : i1 to i32
    %cond3A_503 = arith.constant 0 : i32
    %cond3A_504 = arith.cmpi ne, %convert_element_type3A_502, %cond3A_503 : i32
    scf.if %cond3A_504 {
      %dma_start3A_804 = arith.constant 0 : i32
      %dma_start3A_805 = tpu.memref_slice %arg5[%reduce_sum3A_190, %dma_start3A_804] : memref<512x49152xf32, #tpu.memory_space<hbm>> -> memref<1x49152xf32, #tpu.memory_space<hbm>>
      %dma_start3A_806 = arith.constant 0 : i32
      %dma_start3A_807 = tpu.memref_slice %arg5[%reduce_sum3A_190, %dma_start3A_806] : memref<512x49152xf32, #tpu.memory_space<hbm>> -> memref<1x49152xf32, #tpu.memory_space<hbm>>
      tpu.enqueue_dma source(%arg8 : memref<1x49152xf32, #tpu.memory_space<vmem>>) target(%dma_start3A_807 : memref<1x49152xf32, #tpu.memory_space<hbm>>) target_semaphore(%arg13 : memref<!tpu.dma_semaphore, #tpu.memory_space<semaphore_mem>>)
    } else {
    }
    %not3A_505 = arith.constant true
    %not3A_506 = arith.xori %eq3A_407, %not3A_505 : i1
    %convert_element_type3A_507 = arith.extui %not3A_506 : i1 to i32
    %cond3A_508 = arith.constant 0 : i32
    %cond3A_509 = arith.cmpi ne, %convert_element_type3A_507, %cond3A_508 : i32
    scf.if %cond3A_509 {
      %dma_start3A_804 = arith.constant 0 : i32
      %dma_start3A_805 = tpu.memref_slice %arg5[%reduce_sum3A_190, %dma_start3A_804] : memref<512x49152xf32, #tpu.memory_space<hbm>> -> memref<1x49152xf32, #tpu.memory_space<hbm>>
      %dma_start3A_806 = arith.constant 0 : i32
      %dma_start3A_807 = tpu.memref_slice %arg5[%reduce_sum3A_190, %dma_start3A_806] : memref<512x49152xf32, #tpu.memory_space<hbm>> -> memref<1x49152xf32, #tpu.memory_space<hbm>>
      tpu.enqueue_dma source(%arg9 : memref<1x49152xf32, #tpu.memory_space<vmem>>) target(%dma_start3A_807 : memref<1x49152xf32, #tpu.memory_space<hbm>>) target_semaphore(%arg13 : memref<!tpu.dma_semaphore, #tpu.memory_space<semaphore_mem>>)
    } else {
    }
    %dma_wait3A_510 = arith.constant 0 : i32
    %dma_wait3A_511 = tpu.memref_slice %arg5[%reduce_sum3A_180, %dma_wait3A_510] : memref<512x49152xf32, #tpu.memory_space<hbm>> -> memref<1x49152xf32, #tpu.memory_space<hbm>>
    %dma_wait3A_512 = arith.constant 0 : i32
    %dma_wait3A_513 = tpu.memref_slice %arg5[%reduce_sum3A_180, %dma_wait3A_512] : memref<512x49152xf32, #tpu.memory_space<hbm>> -> memref<1x49152xf32, #tpu.memory_space<hbm>>
    tpu.wait_dma2 semaphore(%arg12 : memref<!tpu.dma_semaphore, #tpu.memory_space<semaphore_mem>>) src(%arg8 : memref<1x49152xf32, #tpu.memory_space<vmem>>) dst(%dma_wait3A_513 : memref<1x49152xf32, #tpu.memory_space<hbm>>)
    %and3A_514 = arith.andi %ne3A_322, %eq3A_411 : i1
    %convert_element_type3A_515 = arith.extui %and3A_514 : i1 to i32
    %cond3A_516 = arith.constant 0 : i32
    %cond3A_517 = arith.cmpi ne, %convert_element_type3A_515, %cond3A_516 : i32
    scf.if %cond3A_517 {
      %dma_start3A_804 = arith.constant 0 : i32
      %dma_start3A_805 = tpu.memref_slice %arg2[%reduce_sum3A_40, %dma_start3A_804] : memref<128x49152xf32, #tpu.memory_space<hbm>> -> memref<1x49152xf32, #tpu.memory_space<hbm>>
      %dma_start3A_806 = arith.constant 0 : i32
      %dma_start3A_807 = tpu.memref_slice %arg2[%reduce_sum3A_40, %dma_start3A_806] : memref<128x49152xf32, #tpu.memory_space<hbm>> -> memref<1x49152xf32, #tpu.memory_space<hbm>>
      tpu.enqueue_dma source(%dma_start3A_807 : memref<1x49152xf32, #tpu.memory_space<hbm>>) target(%arg8 : memref<1x49152xf32, #tpu.memory_space<vmem>>) target_semaphore(%arg10 : memref<!tpu.dma_semaphore, #tpu.memory_space<semaphore_mem>>)
      %dma_wait3A_808 = arith.constant 0 : i32
      %dma_wait3A_809 = tpu.memref_slice %arg2[%reduce_sum3A_40, %dma_wait3A_808] : memref<128x49152xf32, #tpu.memory_space<hbm>> -> memref<1x49152xf32, #tpu.memory_space<hbm>>
      %dma_wait3A_810 = arith.constant 0 : i32
      %dma_wait3A_811 = tpu.memref_slice %arg2[%reduce_sum3A_40, %dma_wait3A_810] : memref<128x49152xf32, #tpu.memory_space<hbm>> -> memref<1x49152xf32, #tpu.memory_space<hbm>>
      tpu.wait_dma2 semaphore(%arg10 : memref<!tpu.dma_semaphore, #tpu.memory_space<semaphore_mem>>) src(%dma_wait3A_811 : memref<1x49152xf32, #tpu.memory_space<hbm>>) dst(%arg8 : memref<1x49152xf32, #tpu.memory_space<vmem>>)
    } else {
    }
    %not3A_518 = arith.constant true
    %not3A_519 = arith.xori %eq3A_411, %not3A_518 : i1
    %and3A_520 = arith.andi %ne3A_322, %not3A_519 : i1
    %convert_element_type3A_521 = arith.extui %and3A_520 : i1 to i32
    %cond3A_522 = arith.constant 0 : i32
    %cond3A_523 = arith.cmpi ne, %convert_element_type3A_521, %cond3A_522 : i32
    scf.if %cond3A_523 {
      %dma_start3A_804 = arith.constant 0 : i32
      %dma_start3A_805 = tpu.memref_slice %arg2[%reduce_sum3A_40, %dma_start3A_804] : memref<128x49152xf32, #tpu.memory_space<hbm>> -> memref<1x49152xf32, #tpu.memory_space<hbm>>
      %dma_start3A_806 = arith.constant 0 : i32
      %dma_start3A_807 = tpu.memref_slice %arg2[%reduce_sum3A_40, %dma_start3A_806] : memref<128x49152xf32, #tpu.memory_space<hbm>> -> memref<1x49152xf32, #tpu.memory_space<hbm>>
      tpu.enqueue_dma source(%dma_start3A_807 : memref<1x49152xf32, #tpu.memory_space<hbm>>) target(%arg9 : memref<1x49152xf32, #tpu.memory_space<vmem>>) target_semaphore(%arg10 : memref<!tpu.dma_semaphore, #tpu.memory_space<semaphore_mem>>)
      %dma_wait3A_808 = arith.constant 0 : i32
      %dma_wait3A_809 = tpu.memref_slice %arg2[%reduce_sum3A_40, %dma_wait3A_808] : memref<128x49152xf32, #tpu.memory_space<hbm>> -> memref<1x49152xf32, #tpu.memory_space<hbm>>
      %dma_wait3A_810 = arith.constant 0 : i32
      %dma_wait3A_811 = tpu.memref_slice %arg2[%reduce_sum3A_40, %dma_wait3A_810] : memref<128x49152xf32, #tpu.memory_space<hbm>> -> memref<1x49152xf32, #tpu.memory_space<hbm>>
      tpu.wait_dma2 semaphore(%arg10 : memref<!tpu.dma_semaphore, #tpu.memory_space<semaphore_mem>>) src(%dma_wait3A_811 : memref<1x49152xf32, #tpu.memory_space<hbm>>) dst(%arg9 : memref<1x49152xf32, #tpu.memory_space<vmem>>)
    } else {
    }
    %convert_element_type3A_524 = arith.extui %eq3A_411 : i1 to i32
    %cond3A_525 = arith.constant 0 : i32
    %cond3A_526 = arith.cmpi ne, %convert_element_type3A_524, %cond3A_525 : i32
    scf.if %cond3A_526 {
      %dma_start3A_804 = arith.constant 0 : i32
      %dma_start3A_805 = tpu.memref_slice %arg5[%reduce_sum3A_200, %dma_start3A_804] : memref<512x49152xf32, #tpu.memory_space<hbm>> -> memref<1x49152xf32, #tpu.memory_space<hbm>>
      %dma_start3A_806 = arith.constant 0 : i32
      %dma_start3A_807 = tpu.memref_slice %arg5[%reduce_sum3A_200, %dma_start3A_806] : memref<512x49152xf32, #tpu.memory_space<hbm>> -> memref<1x49152xf32, #tpu.memory_space<hbm>>
      tpu.enqueue_dma source(%arg8 : memref<1x49152xf32, #tpu.memory_space<vmem>>) target(%dma_start3A_807 : memref<1x49152xf32, #tpu.memory_space<hbm>>) target_semaphore(%arg14 : memref<!tpu.dma_semaphore, #tpu.memory_space<semaphore_mem>>)
    } else {
    }
    %not3A_527 = arith.constant true
    %not3A_528 = arith.xori %eq3A_411, %not3A_527 : i1
    %convert_element_type3A_529 = arith.extui %not3A_528 : i1 to i32
    %cond3A_530 = arith.constant 0 : i32
    %cond3A_531 = arith.cmpi ne, %convert_element_type3A_529, %cond3A_530 : i32
    scf.if %cond3A_531 {
      %dma_start3A_804 = arith.constant 0 : i32
      %dma_start3A_805 = tpu.memref_slice %arg5[%reduce_sum3A_200, %dma_start3A_804] : memref<512x49152xf32, #tpu.memory_space<hbm>> -> memref<1x49152xf32, #tpu.memory_space<hbm>>
      %dma_start3A_806 = arith.constant 0 : i32
      %dma_start3A_807 = tpu.memref_slice %arg5[%reduce_sum3A_200, %dma_start3A_806] : memref<512x49152xf32, #tpu.memory_space<hbm>> -> memref<1x49152xf32, #tpu.memory_space<hbm>>
      tpu.enqueue_dma source(%arg9 : memref<1x49152xf32, #tpu.memory_space<vmem>>) target(%dma_start3A_807 : memref<1x49152xf32, #tpu.memory_space<hbm>>) target_semaphore(%arg14 : memref<!tpu.dma_semaphore, #tpu.memory_space<semaphore_mem>>)
    } else {
    }
    %dma_wait3A_532 = arith.constant 0 : i32
    %dma_wait3A_533 = tpu.memref_slice %arg5[%reduce_sum3A_190, %dma_wait3A_532] : memref<512x49152xf32, #tpu.memory_space<hbm>> -> memref<1x49152xf32, #tpu.memory_space<hbm>>
    %dma_wait3A_534 = arith.constant 0 : i32
    %dma_wait3A_535 = tpu.memref_slice %arg5[%reduce_sum3A_190, %dma_wait3A_534] : memref<512x49152xf32, #tpu.memory_space<hbm>> -> memref<1x49152xf32, #tpu.memory_space<hbm>>
    tpu.wait_dma2 semaphore(%arg13 : memref<!tpu.dma_semaphore, #tpu.memory_space<semaphore_mem>>) src(%arg8 : memref<1x49152xf32, #tpu.memory_space<vmem>>) dst(%dma_wait3A_535 : memref<1x49152xf32, #tpu.memory_space<hbm>>)
    %and3A_536 = arith.andi %ne3A_323, %eq3A_415 : i1
    %convert_element_type3A_537 = arith.extui %and3A_536 : i1 to i32
    %cond3A_538 = arith.constant 0 : i32
    %cond3A_539 = arith.cmpi ne, %convert_element_type3A_537, %cond3A_538 : i32
    scf.if %cond3A_539 {
      %dma_start3A_804 = arith.constant 0 : i32
      %dma_start3A_805 = tpu.memref_slice %arg2[%reduce_sum3A_50, %dma_start3A_804] : memref<128x49152xf32, #tpu.memory_space<hbm>> -> memref<1x49152xf32, #tpu.memory_space<hbm>>
      %dma_start3A_806 = arith.constant 0 : i32
      %dma_start3A_807 = tpu.memref_slice %arg2[%reduce_sum3A_50, %dma_start3A_806] : memref<128x49152xf32, #tpu.memory_space<hbm>> -> memref<1x49152xf32, #tpu.memory_space<hbm>>
      tpu.enqueue_dma source(%dma_start3A_807 : memref<1x49152xf32, #tpu.memory_space<hbm>>) target(%arg8 : memref<1x49152xf32, #tpu.memory_space<vmem>>) target_semaphore(%arg10 : memref<!tpu.dma_semaphore, #tpu.memory_space<semaphore_mem>>)
      %dma_wait3A_808 = arith.constant 0 : i32
      %dma_wait3A_809 = tpu.memref_slice %arg2[%reduce_sum3A_50, %dma_wait3A_808] : memref<128x49152xf32, #tpu.memory_space<hbm>> -> memref<1x49152xf32, #tpu.memory_space<hbm>>
      %dma_wait3A_810 = arith.constant 0 : i32
      %dma_wait3A_811 = tpu.memref_slice %arg2[%reduce_sum3A_50, %dma_wait3A_810] : memref<128x49152xf32, #tpu.memory_space<hbm>> -> memref<1x49152xf32, #tpu.memory_space<hbm>>
      tpu.wait_dma2 semaphore(%arg10 : memref<!tpu.dma_semaphore, #tpu.memory_space<semaphore_mem>>) src(%dma_wait3A_811 : memref<1x49152xf32, #tpu.memory_space<hbm>>) dst(%arg8 : memref<1x49152xf32, #tpu.memory_space<vmem>>)
    } else {
    }
    %not3A_540 = arith.constant true
    %not3A_541 = arith.xori %eq3A_415, %not3A_540 : i1
    %and3A_542 = arith.andi %ne3A_323, %not3A_541 : i1
    %convert_element_type3A_543 = arith.extui %and3A_542 : i1 to i32
    %cond3A_544 = arith.constant 0 : i32
    %cond3A_545 = arith.cmpi ne, %convert_element_type3A_543, %cond3A_544 : i32
    scf.if %cond3A_545 {
      %dma_start3A_804 = arith.constant 0 : i32
      %dma_start3A_805 = tpu.memref_slice %arg2[%reduce_sum3A_50, %dma_start3A_804] : memref<128x49152xf32, #tpu.memory_space<hbm>> -> memref<1x49152xf32, #tpu.memory_space<hbm>>
      %dma_start3A_806 = arith.constant 0 : i32
      %dma_start3A_807 = tpu.memref_slice %arg2[%reduce_sum3A_50, %dma_start3A_806] : memref<128x49152xf32, #tpu.memory_space<hbm>> -> memref<1x49152xf32, #tpu.memory_space<hbm>>
      tpu.enqueue_dma source(%dma_start3A_807 : memref<1x49152xf32, #tpu.memory_space<hbm>>) target(%arg9 : memref<1x49152xf32, #tpu.memory_space<vmem>>) target_semaphore(%arg10 : memref<!tpu.dma_semaphore, #tpu.memory_space<semaphore_mem>>)
      %dma_wait3A_808 = arith.constant 0 : i32
      %dma_wait3A_809 = tpu.memref_slice %arg2[%reduce_sum3A_50, %dma_wait3A_808] : memref<128x49152xf32, #tpu.memory_space<hbm>> -> memref<1x49152xf32, #tpu.memory_space<hbm>>
      %dma_wait3A_810 = arith.constant 0 : i32
      %dma_wait3A_811 = tpu.memref_slice %arg2[%reduce_sum3A_50, %dma_wait3A_810] : memref<128x49152xf32, #tpu.memory_space<hbm>> -> memref<1x49152xf32, #tpu.memory_space<hbm>>
      tpu.wait_dma2 semaphore(%arg10 : memref<!tpu.dma_semaphore, #tpu.memory_space<semaphore_mem>>) src(%dma_wait3A_811 : memref<1x49152xf32, #tpu.memory_space<hbm>>) dst(%arg9 : memref<1x49152xf32, #tpu.memory_space<vmem>>)
    } else {
    }
    %convert_element_type3A_546 = arith.extui %eq3A_415 : i1 to i32
    %cond3A_547 = arith.constant 0 : i32
    %cond3A_548 = arith.cmpi ne, %convert_element_type3A_546, %cond3A_547 : i32
    scf.if %cond3A_548 {
      %dma_start3A_804 = arith.constant 0 : i32
      %dma_start3A_805 = tpu.memref_slice %arg5[%reduce_sum3A_210, %dma_start3A_804] : memref<512x49152xf32, #tpu.memory_space<hbm>> -> memref<1x49152xf32, #tpu.memory_space<hbm>>
      %dma_start3A_806 = arith.constant 0 : i32
      %dma_start3A_807 = tpu.memref_slice %arg5[%reduce_sum3A_210, %dma_start3A_806] : memref<512x49152xf32, #tpu.memory_space<hbm>> -> memref<1x49152xf32, #tpu.memory_space<hbm>>
      tpu.enqueue_dma source(%arg8 : memref<1x49152xf32, #tpu.memory_space<vmem>>) target(%dma_start3A_807 : memref<1x49152xf32, #tpu.memory_space<hbm>>) target_semaphore(%arg15 : memref<!tpu.dma_semaphore, #tpu.memory_space<semaphore_mem>>)
    } else {
    }
    %not3A_549 = arith.constant true
    %not3A_550 = arith.xori %eq3A_415, %not3A_549 : i1
    %convert_element_type3A_551 = arith.extui %not3A_550 : i1 to i32
    %cond3A_552 = arith.constant 0 : i32
    %cond3A_553 = arith.cmpi ne, %convert_element_type3A_551, %cond3A_552 : i32
    scf.if %cond3A_553 {
      %dma_start3A_804 = arith.constant 0 : i32
      %dma_start3A_805 = tpu.memref_slice %arg5[%reduce_sum3A_210, %dma_start3A_804] : memref<512x49152xf32, #tpu.memory_space<hbm>> -> memref<1x49152xf32, #tpu.memory_space<hbm>>
      %dma_start3A_806 = arith.constant 0 : i32
      %dma_start3A_807 = tpu.memref_slice %arg5[%reduce_sum3A_210, %dma_start3A_806] : memref<512x49152xf32, #tpu.memory_space<hbm>> -> memref<1x49152xf32, #tpu.memory_space<hbm>>
      tpu.enqueue_dma source(%arg9 : memref<1x49152xf32, #tpu.memory_space<vmem>>) target(%dma_start3A_807 : memref<1x49152xf32, #tpu.memory_space<hbm>>) target_semaphore(%arg15 : memref<!tpu.dma_semaphore, #tpu.memory_space<semaphore_mem>>)
    } else {
    }
    %dma_wait3A_554 = arith.constant 0 : i32
    %dma_wait3A_555 = tpu.memref_slice %arg5[%reduce_sum3A_200, %dma_wait3A_554] : memref<512x49152xf32, #tpu.memory_space<hbm>> -> memref<1x49152xf32, #tpu.memory_space<hbm>>
    %dma_wait3A_556 = arith.constant 0 : i32
    %dma_wait3A_557 = tpu.memref_slice %arg5[%reduce_sum3A_200, %dma_wait3A_556] : memref<512x49152xf32, #tpu.memory_space<hbm>> -> memref<1x49152xf32, #tpu.memory_space<hbm>>
    tpu.wait_dma2 semaphore(%arg14 : memref<!tpu.dma_semaphore, #tpu.memory_space<semaphore_mem>>) src(%arg8 : memref<1x49152xf32, #tpu.memory_space<vmem>>) dst(%dma_wait3A_557 : memref<1x49152xf32, #tpu.memory_space<hbm>>)
    %and3A_558 = arith.andi %ne3A_324, %eq3A_419 : i1
    %convert_element_type3A_559 = arith.extui %and3A_558 : i1 to i32
    %cond3A_560 = arith.constant 0 : i32
    %cond3A_561 = arith.cmpi ne, %convert_element_type3A_559, %cond3A_560 : i32
    scf.if %cond3A_561 {
      %dma_start3A_804 = arith.constant 0 : i32
      %dma_start3A_805 = tpu.memref_slice %arg2[%reduce_sum3A_60, %dma_start3A_804] : memref<128x49152xf32, #tpu.memory_space<hbm>> -> memref<1x49152xf32, #tpu.memory_space<hbm>>
      %dma_start3A_806 = arith.constant 0 : i32
      %dma_start3A_807 = tpu.memref_slice %arg2[%reduce_sum3A_60, %dma_start3A_806] : memref<128x49152xf32, #tpu.memory_space<hbm>> -> memref<1x49152xf32, #tpu.memory_space<hbm>>
      tpu.enqueue_dma source(%dma_start3A_807 : memref<1x49152xf32, #tpu.memory_space<hbm>>) target(%arg8 : memref<1x49152xf32, #tpu.memory_space<vmem>>) target_semaphore(%arg10 : memref<!tpu.dma_semaphore, #tpu.memory_space<semaphore_mem>>)
      %dma_wait3A_808 = arith.constant 0 : i32
      %dma_wait3A_809 = tpu.memref_slice %arg2[%reduce_sum3A_60, %dma_wait3A_808] : memref<128x49152xf32, #tpu.memory_space<hbm>> -> memref<1x49152xf32, #tpu.memory_space<hbm>>
      %dma_wait3A_810 = arith.constant 0 : i32
      %dma_wait3A_811 = tpu.memref_slice %arg2[%reduce_sum3A_60, %dma_wait3A_810] : memref<128x49152xf32, #tpu.memory_space<hbm>> -> memref<1x49152xf32, #tpu.memory_space<hbm>>
      tpu.wait_dma2 semaphore(%arg10 : memref<!tpu.dma_semaphore, #tpu.memory_space<semaphore_mem>>) src(%dma_wait3A_811 : memref<1x49152xf32, #tpu.memory_space<hbm>>) dst(%arg8 : memref<1x49152xf32, #tpu.memory_space<vmem>>)
    } else {
    }
    %not3A_562 = arith.constant true
    %not3A_563 = arith.xori %eq3A_419, %not3A_562 : i1
    %and3A_564 = arith.andi %ne3A_324, %not3A_563 : i1
    %convert_element_type3A_565 = arith.extui %and3A_564 : i1 to i32
    %cond3A_566 = arith.constant 0 : i32
    %cond3A_567 = arith.cmpi ne, %convert_element_type3A_565, %cond3A_566 : i32
    scf.if %cond3A_567 {
      %dma_start3A_804 = arith.constant 0 : i32
      %dma_start3A_805 = tpu.memref_slice %arg2[%reduce_sum3A_60, %dma_start3A_804] : memref<128x49152xf32, #tpu.memory_space<hbm>> -> memref<1x49152xf32, #tpu.memory_space<hbm>>
      %dma_start3A_806 = arith.constant 0 : i32
      %dma_start3A_807 = tpu.memref_slice %arg2[%reduce_sum3A_60, %dma_start3A_806] : memref<128x49152xf32, #tpu.memory_space<hbm>> -> memref<1x49152xf32, #tpu.memory_space<hbm>>
      tpu.enqueue_dma source(%dma_start3A_807 : memref<1x49152xf32, #tpu.memory_space<hbm>>) target(%arg9 : memref<1x49152xf32, #tpu.memory_space<vmem>>) target_semaphore(%arg10 : memref<!tpu.dma_semaphore, #tpu.memory_space<semaphore_mem>>)
      %dma_wait3A_808 = arith.constant 0 : i32
      %dma_wait3A_809 = tpu.memref_slice %arg2[%reduce_sum3A_60, %dma_wait3A_808] : memref<128x49152xf32, #tpu.memory_space<hbm>> -> memref<1x49152xf32, #tpu.memory_space<hbm>>
      %dma_wait3A_810 = arith.constant 0 : i32
      %dma_wait3A_811 = tpu.memref_slice %arg2[%reduce_sum3A_60, %dma_wait3A_810] : memref<128x49152xf32, #tpu.memory_space<hbm>> -> memref<1x49152xf32, #tpu.memory_space<hbm>>
      tpu.wait_dma2 semaphore(%arg10 : memref<!tpu.dma_semaphore, #tpu.memory_space<semaphore_mem>>) src(%dma_wait3A_811 : memref<1x49152xf32, #tpu.memory_space<hbm>>) dst(%arg9 : memref<1x49152xf32, #tpu.memory_space<vmem>>)
    } else {
    }
    %convert_element_type3A_568 = arith.extui %eq3A_419 : i1 to i32
    %cond3A_569 = arith.constant 0 : i32
    %cond3A_570 = arith.cmpi ne, %convert_element_type3A_568, %cond3A_569 : i32
    scf.if %cond3A_570 {
      %dma_start3A_804 = arith.constant 0 : i32
      %dma_start3A_805 = tpu.memref_slice %arg5[%reduce_sum3A_220, %dma_start3A_804] : memref<512x49152xf32, #tpu.memory_space<hbm>> -> memref<1x49152xf32, #tpu.memory_space<hbm>>
      %dma_start3A_806 = arith.constant 0 : i32
      %dma_start3A_807 = tpu.memref_slice %arg5[%reduce_sum3A_220, %dma_start3A_806] : memref<512x49152xf32, #tpu.memory_space<hbm>> -> memref<1x49152xf32, #tpu.memory_space<hbm>>
      tpu.enqueue_dma source(%arg8 : memref<1x49152xf32, #tpu.memory_space<vmem>>) target(%dma_start3A_807 : memref<1x49152xf32, #tpu.memory_space<hbm>>) target_semaphore(%arg16 : memref<!tpu.dma_semaphore, #tpu.memory_space<semaphore_mem>>)
    } else {
    }
    %not3A_571 = arith.constant true
    %not3A_572 = arith.xori %eq3A_419, %not3A_571 : i1
    %convert_element_type3A_573 = arith.extui %not3A_572 : i1 to i32
    %cond3A_574 = arith.constant 0 : i32
    %cond3A_575 = arith.cmpi ne, %convert_element_type3A_573, %cond3A_574 : i32
    scf.if %cond3A_575 {
      %dma_start3A_804 = arith.constant 0 : i32
      %dma_start3A_805 = tpu.memref_slice %arg5[%reduce_sum3A_220, %dma_start3A_804] : memref<512x49152xf32, #tpu.memory_space<hbm>> -> memref<1x49152xf32, #tpu.memory_space<hbm>>
      %dma_start3A_806 = arith.constant 0 : i32
      %dma_start3A_807 = tpu.memref_slice %arg5[%reduce_sum3A_220, %dma_start3A_806] : memref<512x49152xf32, #tpu.memory_space<hbm>> -> memref<1x49152xf32, #tpu.memory_space<hbm>>
      tpu.enqueue_dma source(%arg9 : memref<1x49152xf32, #tpu.memory_space<vmem>>) target(%dma_start3A_807 : memref<1x49152xf32, #tpu.memory_space<hbm>>) target_semaphore(%arg16 : memref<!tpu.dma_semaphore, #tpu.memory_space<semaphore_mem>>)
    } else {
    }
    %dma_wait3A_576 = arith.constant 0 : i32
    %dma_wait3A_577 = tpu.memref_slice %arg5[%reduce_sum3A_210, %dma_wait3A_576] : memref<512x49152xf32, #tpu.memory_space<hbm>> -> memref<1x49152xf32, #tpu.memory_space<hbm>>
    %dma_wait3A_578 = arith.constant 0 : i32
    %dma_wait3A_579 = tpu.memref_slice %arg5[%reduce_sum3A_210, %dma_wait3A_578] : memref<512x49152xf32, #tpu.memory_space<hbm>> -> memref<1x49152xf32, #tpu.memory_space<hbm>>
    tpu.wait_dma2 semaphore(%arg15 : memref<!tpu.dma_semaphore, #tpu.memory_space<semaphore_mem>>) src(%arg8 : memref<1x49152xf32, #tpu.memory_space<vmem>>) dst(%dma_wait3A_579 : memref<1x49152xf32, #tpu.memory_space<hbm>>)
    %and3A_580 = arith.andi %ne3A_325, %eq3A_423 : i1
    %convert_element_type3A_581 = arith.extui %and3A_580 : i1 to i32
    %cond3A_582 = arith.constant 0 : i32
    %cond3A_583 = arith.cmpi ne, %convert_element_type3A_581, %cond3A_582 : i32
    scf.if %cond3A_583 {
      %dma_start3A_804 = arith.constant 0 : i32
      %dma_start3A_805 = tpu.memref_slice %arg2[%reduce_sum3A_70, %dma_start3A_804] : memref<128x49152xf32, #tpu.memory_space<hbm>> -> memref<1x49152xf32, #tpu.memory_space<hbm>>
      %dma_start3A_806 = arith.constant 0 : i32
      %dma_start3A_807 = tpu.memref_slice %arg2[%reduce_sum3A_70, %dma_start3A_806] : memref<128x49152xf32, #tpu.memory_space<hbm>> -> memref<1x49152xf32, #tpu.memory_space<hbm>>
      tpu.enqueue_dma source(%dma_start3A_807 : memref<1x49152xf32, #tpu.memory_space<hbm>>) target(%arg8 : memref<1x49152xf32, #tpu.memory_space<vmem>>) target_semaphore(%arg10 : memref<!tpu.dma_semaphore, #tpu.memory_space<semaphore_mem>>)
      %dma_wait3A_808 = arith.constant 0 : i32
      %dma_wait3A_809 = tpu.memref_slice %arg2[%reduce_sum3A_70, %dma_wait3A_808] : memref<128x49152xf32, #tpu.memory_space<hbm>> -> memref<1x49152xf32, #tpu.memory_space<hbm>>
      %dma_wait3A_810 = arith.constant 0 : i32
      %dma_wait3A_811 = tpu.memref_slice %arg2[%reduce_sum3A_70, %dma_wait3A_810] : memref<128x49152xf32, #tpu.memory_space<hbm>> -> memref<1x49152xf32, #tpu.memory_space<hbm>>
      tpu.wait_dma2 semaphore(%arg10 : memref<!tpu.dma_semaphore, #tpu.memory_space<semaphore_mem>>) src(%dma_wait3A_811 : memref<1x49152xf32, #tpu.memory_space<hbm>>) dst(%arg8 : memref<1x49152xf32, #tpu.memory_space<vmem>>)
    } else {
    }
    %not3A_584 = arith.constant true
    %not3A_585 = arith.xori %eq3A_423, %not3A_584 : i1
    %and3A_586 = arith.andi %ne3A_325, %not3A_585 : i1
    %convert_element_type3A_587 = arith.extui %and3A_586 : i1 to i32
    %cond3A_588 = arith.constant 0 : i32
    %cond3A_589 = arith.cmpi ne, %convert_element_type3A_587, %cond3A_588 : i32
    scf.if %cond3A_589 {
      %dma_start3A_804 = arith.constant 0 : i32
      %dma_start3A_805 = tpu.memref_slice %arg2[%reduce_sum3A_70, %dma_start3A_804] : memref<128x49152xf32, #tpu.memory_space<hbm>> -> memref<1x49152xf32, #tpu.memory_space<hbm>>
      %dma_start3A_806 = arith.constant 0 : i32
      %dma_start3A_807 = tpu.memref_slice %arg2[%reduce_sum3A_70, %dma_start3A_806] : memref<128x49152xf32, #tpu.memory_space<hbm>> -> memref<1x49152xf32, #tpu.memory_space<hbm>>
      tpu.enqueue_dma source(%dma_start3A_807 : memref<1x49152xf32, #tpu.memory_space<hbm>>) target(%arg9 : memref<1x49152xf32, #tpu.memory_space<vmem>>) target_semaphore(%arg10 : memref<!tpu.dma_semaphore, #tpu.memory_space<semaphore_mem>>)
      %dma_wait3A_808 = arith.constant 0 : i32
      %dma_wait3A_809 = tpu.memref_slice %arg2[%reduce_sum3A_70, %dma_wait3A_808] : memref<128x49152xf32, #tpu.memory_space<hbm>> -> memref<1x49152xf32, #tpu.memory_space<hbm>>
      %dma_wait3A_810 = arith.constant 0 : i32
      %dma_wait3A_811 = tpu.memref_slice %arg2[%reduce_sum3A_70, %dma_wait3A_810] : memref<128x49152xf32, #tpu.memory_space<hbm>> -> memref<1x49152xf32, #tpu.memory_space<hbm>>
      tpu.wait_dma2 semaphore(%arg10 : memref<!tpu.dma_semaphore, #tpu.memory_space<semaphore_mem>>) src(%dma_wait3A_811 : memref<1x49152xf32, #tpu.memory_space<hbm>>) dst(%arg9 : memref<1x49152xf32, #tpu.memory_space<vmem>>)
    } else {
    }
    %convert_element_type3A_590 = arith.extui %eq3A_423 : i1 to i32
    %cond3A_591 = arith.constant 0 : i32
    %cond3A_592 = arith.cmpi ne, %convert_element_type3A_590, %cond3A_591 : i32
    scf.if %cond3A_592 {
      %dma_start3A_804 = arith.constant 0 : i32
      %dma_start3A_805 = tpu.memref_slice %arg5[%reduce_sum3A_230, %dma_start3A_804] : memref<512x49152xf32, #tpu.memory_space<hbm>> -> memref<1x49152xf32, #tpu.memory_space<hbm>>
      %dma_start3A_806 = arith.constant 0 : i32
      %dma_start3A_807 = tpu.memref_slice %arg5[%reduce_sum3A_230, %dma_start3A_806] : memref<512x49152xf32, #tpu.memory_space<hbm>> -> memref<1x49152xf32, #tpu.memory_space<hbm>>
      tpu.enqueue_dma source(%arg8 : memref<1x49152xf32, #tpu.memory_space<vmem>>) target(%dma_start3A_807 : memref<1x49152xf32, #tpu.memory_space<hbm>>) target_semaphore(%arg17 : memref<!tpu.dma_semaphore, #tpu.memory_space<semaphore_mem>>)
    } else {
    }
    %not3A_593 = arith.constant true
    %not3A_594 = arith.xori %eq3A_423, %not3A_593 : i1
    %convert_element_type3A_595 = arith.extui %not3A_594 : i1 to i32
    %cond3A_596 = arith.constant 0 : i32
    %cond3A_597 = arith.cmpi ne, %convert_element_type3A_595, %cond3A_596 : i32
    scf.if %cond3A_597 {
      %dma_start3A_804 = arith.constant 0 : i32
      %dma_start3A_805 = tpu.memref_slice %arg5[%reduce_sum3A_230, %dma_start3A_804] : memref<512x49152xf32, #tpu.memory_space<hbm>> -> memref<1x49152xf32, #tpu.memory_space<hbm>>
      %dma_start3A_806 = arith.constant 0 : i32
      %dma_start3A_807 = tpu.memref_slice %arg5[%reduce_sum3A_230, %dma_start3A_806] : memref<512x49152xf32, #tpu.memory_space<hbm>> -> memref<1x49152xf32, #tpu.memory_space<hbm>>
      tpu.enqueue_dma source(%arg9 : memref<1x49152xf32, #tpu.memory_space<vmem>>) target(%dma_start3A_807 : memref<1x49152xf32, #tpu.memory_space<hbm>>) target_semaphore(%arg17 : memref<!tpu.dma_semaphore, #tpu.memory_space<semaphore_mem>>)
    } else {
    }
    %dma_wait3A_598 = arith.constant 0 : i32
    %dma_wait3A_599 = tpu.memref_slice %arg5[%reduce_sum3A_220, %dma_wait3A_598] : memref<512x49152xf32, #tpu.memory_space<hbm>> -> memref<1x49152xf32, #tpu.memory_space<hbm>>
    %dma_wait3A_600 = arith.constant 0 : i32
    %dma_wait3A_601 = tpu.memref_slice %arg5[%reduce_sum3A_220, %dma_wait3A_600] : memref<512x49152xf32, #tpu.memory_space<hbm>> -> memref<1x49152xf32, #tpu.memory_space<hbm>>
    tpu.wait_dma2 semaphore(%arg16 : memref<!tpu.dma_semaphore, #tpu.memory_space<semaphore_mem>>) src(%arg8 : memref<1x49152xf32, #tpu.memory_space<vmem>>) dst(%dma_wait3A_601 : memref<1x49152xf32, #tpu.memory_space<hbm>>)
    %and3A_602 = arith.andi %ne3A_326, %eq3A_427 : i1
    %convert_element_type3A_603 = arith.extui %and3A_602 : i1 to i32
    %cond3A_604 = arith.constant 0 : i32
    %cond3A_605 = arith.cmpi ne, %convert_element_type3A_603, %cond3A_604 : i32
    scf.if %cond3A_605 {
      %dma_start3A_804 = arith.constant 0 : i32
      %dma_start3A_805 = tpu.memref_slice %arg2[%reduce_sum3A_80, %dma_start3A_804] : memref<128x49152xf32, #tpu.memory_space<hbm>> -> memref<1x49152xf32, #tpu.memory_space<hbm>>
      %dma_start3A_806 = arith.constant 0 : i32
      %dma_start3A_807 = tpu.memref_slice %arg2[%reduce_sum3A_80, %dma_start3A_806] : memref<128x49152xf32, #tpu.memory_space<hbm>> -> memref<1x49152xf32, #tpu.memory_space<hbm>>
      tpu.enqueue_dma source(%dma_start3A_807 : memref<1x49152xf32, #tpu.memory_space<hbm>>) target(%arg8 : memref<1x49152xf32, #tpu.memory_space<vmem>>) target_semaphore(%arg10 : memref<!tpu.dma_semaphore, #tpu.memory_space<semaphore_mem>>)
      %dma_wait3A_808 = arith.constant 0 : i32
      %dma_wait3A_809 = tpu.memref_slice %arg2[%reduce_sum3A_80, %dma_wait3A_808] : memref<128x49152xf32, #tpu.memory_space<hbm>> -> memref<1x49152xf32, #tpu.memory_space<hbm>>
      %dma_wait3A_810 = arith.constant 0 : i32
      %dma_wait3A_811 = tpu.memref_slice %arg2[%reduce_sum3A_80, %dma_wait3A_810] : memref<128x49152xf32, #tpu.memory_space<hbm>> -> memref<1x49152xf32, #tpu.memory_space<hbm>>
      tpu.wait_dma2 semaphore(%arg10 : memref<!tpu.dma_semaphore, #tpu.memory_space<semaphore_mem>>) src(%dma_wait3A_811 : memref<1x49152xf32, #tpu.memory_space<hbm>>) dst(%arg8 : memref<1x49152xf32, #tpu.memory_space<vmem>>)
    } else {
    }
    %not3A_606 = arith.constant true
    %not3A_607 = arith.xori %eq3A_427, %not3A_606 : i1
    %and3A_608 = arith.andi %ne3A_326, %not3A_607 : i1
    %convert_element_type3A_609 = arith.extui %and3A_608 : i1 to i32
    %cond3A_610 = arith.constant 0 : i32
    %cond3A_611 = arith.cmpi ne, %convert_element_type3A_609, %cond3A_610 : i32
    scf.if %cond3A_611 {
      %dma_start3A_804 = arith.constant 0 : i32
      %dma_start3A_805 = tpu.memref_slice %arg2[%reduce_sum3A_80, %dma_start3A_804] : memref<128x49152xf32, #tpu.memory_space<hbm>> -> memref<1x49152xf32, #tpu.memory_space<hbm>>
      %dma_start3A_806 = arith.constant 0 : i32
      %dma_start3A_807 = tpu.memref_slice %arg2[%reduce_sum3A_80, %dma_start3A_806] : memref<128x49152xf32, #tpu.memory_space<hbm>> -> memref<1x49152xf32, #tpu.memory_space<hbm>>
      tpu.enqueue_dma source(%dma_start3A_807 : memref<1x49152xf32, #tpu.memory_space<hbm>>) target(%arg9 : memref<1x49152xf32, #tpu.memory_space<vmem>>) target_semaphore(%arg10 : memref<!tpu.dma_semaphore, #tpu.memory_space<semaphore_mem>>)
      %dma_wait3A_808 = arith.constant 0 : i32
      %dma_wait3A_809 = tpu.memref_slice %arg2[%reduce_sum3A_80, %dma_wait3A_808] : memref<128x49152xf32, #tpu.memory_space<hbm>> -> memref<1x49152xf32, #tpu.memory_space<hbm>>
      %dma_wait3A_810 = arith.constant 0 : i32
      %dma_wait3A_811 = tpu.memref_slice %arg2[%reduce_sum3A_80, %dma_wait3A_810] : memref<128x49152xf32, #tpu.memory_space<hbm>> -> memref<1x49152xf32, #tpu.memory_space<hbm>>
      tpu.wait_dma2 semaphore(%arg10 : memref<!tpu.dma_semaphore, #tpu.memory_space<semaphore_mem>>) src(%dma_wait3A_811 : memref<1x49152xf32, #tpu.memory_space<hbm>>) dst(%arg9 : memref<1x49152xf32, #tpu.memory_space<vmem>>)
    } else {
    }
    %convert_element_type3A_612 = arith.extui %eq3A_427 : i1 to i32
    %cond3A_613 = arith.constant 0 : i32
    %cond3A_614 = arith.cmpi ne, %convert_element_type3A_612, %cond3A_613 : i32
    scf.if %cond3A_614 {
      %dma_start3A_804 = arith.constant 0 : i32
      %dma_start3A_805 = tpu.memref_slice %arg5[%reduce_sum3A_240, %dma_start3A_804] : memref<512x49152xf32, #tpu.memory_space<hbm>> -> memref<1x49152xf32, #tpu.memory_space<hbm>>
      %dma_start3A_806 = arith.constant 0 : i32
      %dma_start3A_807 = tpu.memref_slice %arg5[%reduce_sum3A_240, %dma_start3A_806] : memref<512x49152xf32, #tpu.memory_space<hbm>> -> memref<1x49152xf32, #tpu.memory_space<hbm>>
      tpu.enqueue_dma source(%arg8 : memref<1x49152xf32, #tpu.memory_space<vmem>>) target(%dma_start3A_807 : memref<1x49152xf32, #tpu.memory_space<hbm>>) target_semaphore(%arg18 : memref<!tpu.dma_semaphore, #tpu.memory_space<semaphore_mem>>)
    } else {
    }
    %not3A_615 = arith.constant true
    %not3A_616 = arith.xori %eq3A_427, %not3A_615 : i1
    %convert_element_type3A_617 = arith.extui %not3A_616 : i1 to i32
    %cond3A_618 = arith.constant 0 : i32
    %cond3A_619 = arith.cmpi ne, %convert_element_type3A_617, %cond3A_618 : i32
    scf.if %cond3A_619 {
      %dma_start3A_804 = arith.constant 0 : i32
      %dma_start3A_805 = tpu.memref_slice %arg5[%reduce_sum3A_240, %dma_start3A_804] : memref<512x49152xf32, #tpu.memory_space<hbm>> -> memref<1x49152xf32, #tpu.memory_space<hbm>>
      %dma_start3A_806 = arith.constant 0 : i32
      %dma_start3A_807 = tpu.memref_slice %arg5[%reduce_sum3A_240, %dma_start3A_806] : memref<512x49152xf32, #tpu.memory_space<hbm>> -> memref<1x49152xf32, #tpu.memory_space<hbm>>
      tpu.enqueue_dma source(%arg9 : memref<1x49152xf32, #tpu.memory_space<vmem>>) target(%dma_start3A_807 : memref<1x49152xf32, #tpu.memory_space<hbm>>) target_semaphore(%arg18 : memref<!tpu.dma_semaphore, #tpu.memory_space<semaphore_mem>>)
    } else {
    }
    %dma_wait3A_620 = arith.constant 0 : i32
    %dma_wait3A_621 = tpu.memref_slice %arg5[%reduce_sum3A_230, %dma_wait3A_620] : memref<512x49152xf32, #tpu.memory_space<hbm>> -> memref<1x49152xf32, #tpu.memory_space<hbm>>
    %dma_wait3A_622 = arith.constant 0 : i32
    %dma_wait3A_623 = tpu.memref_slice %arg5[%reduce_sum3A_230, %dma_wait3A_622] : memref<512x49152xf32, #tpu.memory_space<hbm>> -> memref<1x49152xf32, #tpu.memory_space<hbm>>
    tpu.wait_dma2 semaphore(%arg17 : memref<!tpu.dma_semaphore, #tpu.memory_space<semaphore_mem>>) src(%arg8 : memref<1x49152xf32, #tpu.memory_space<vmem>>) dst(%dma_wait3A_623 : memref<1x49152xf32, #tpu.memory_space<hbm>>)
    %and3A_624 = arith.andi %ne3A_327, %eq3A_431 : i1
    %convert_element_type3A_625 = arith.extui %and3A_624 : i1 to i32
    %cond3A_626 = arith.constant 0 : i32
    %cond3A_627 = arith.cmpi ne, %convert_element_type3A_625, %cond3A_626 : i32
    scf.if %cond3A_627 {
      %dma_start3A_804 = arith.constant 0 : i32
      %dma_start3A_805 = tpu.memref_slice %arg2[%reduce_sum3A_90, %dma_start3A_804] : memref<128x49152xf32, #tpu.memory_space<hbm>> -> memref<1x49152xf32, #tpu.memory_space<hbm>>
      %dma_start3A_806 = arith.constant 0 : i32
      %dma_start3A_807 = tpu.memref_slice %arg2[%reduce_sum3A_90, %dma_start3A_806] : memref<128x49152xf32, #tpu.memory_space<hbm>> -> memref<1x49152xf32, #tpu.memory_space<hbm>>
      tpu.enqueue_dma source(%dma_start3A_807 : memref<1x49152xf32, #tpu.memory_space<hbm>>) target(%arg8 : memref<1x49152xf32, #tpu.memory_space<vmem>>) target_semaphore(%arg10 : memref<!tpu.dma_semaphore, #tpu.memory_space<semaphore_mem>>)
      %dma_wait3A_808 = arith.constant 0 : i32
      %dma_wait3A_809 = tpu.memref_slice %arg2[%reduce_sum3A_90, %dma_wait3A_808] : memref<128x49152xf32, #tpu.memory_space<hbm>> -> memref<1x49152xf32, #tpu.memory_space<hbm>>
      %dma_wait3A_810 = arith.constant 0 : i32
      %dma_wait3A_811 = tpu.memref_slice %arg2[%reduce_sum3A_90, %dma_wait3A_810] : memref<128x49152xf32, #tpu.memory_space<hbm>> -> memref<1x49152xf32, #tpu.memory_space<hbm>>
      tpu.wait_dma2 semaphore(%arg10 : memref<!tpu.dma_semaphore, #tpu.memory_space<semaphore_mem>>) src(%dma_wait3A_811 : memref<1x49152xf32, #tpu.memory_space<hbm>>) dst(%arg8 : memref<1x49152xf32, #tpu.memory_space<vmem>>)
    } else {
    }
    %not3A_628 = arith.constant true
    %not3A_629 = arith.xori %eq3A_431, %not3A_628 : i1
    %and3A_630 = arith.andi %ne3A_327, %not3A_629 : i1
    %convert_element_type3A_631 = arith.extui %and3A_630 : i1 to i32
    %cond3A_632 = arith.constant 0 : i32
    %cond3A_633 = arith.cmpi ne, %convert_element_type3A_631, %cond3A_632 : i32
    scf.if %cond3A_633 {
      %dma_start3A_804 = arith.constant 0 : i32
      %dma_start3A_805 = tpu.memref_slice %arg2[%reduce_sum3A_90, %dma_start3A_804] : memref<128x49152xf32, #tpu.memory_space<hbm>> -> memref<1x49152xf32, #tpu.memory_space<hbm>>
      %dma_start3A_806 = arith.constant 0 : i32
      %dma_start3A_807 = tpu.memref_slice %arg2[%reduce_sum3A_90, %dma_start3A_806] : memref<128x49152xf32, #tpu.memory_space<hbm>> -> memref<1x49152xf32, #tpu.memory_space<hbm>>
      tpu.enqueue_dma source(%dma_start3A_807 : memref<1x49152xf32, #tpu.memory_space<hbm>>) target(%arg9 : memref<1x49152xf32, #tpu.memory_space<vmem>>) target_semaphore(%arg10 : memref<!tpu.dma_semaphore, #tpu.memory_space<semaphore_mem>>)
      %dma_wait3A_808 = arith.constant 0 : i32
      %dma_wait3A_809 = tpu.memref_slice %arg2[%reduce_sum3A_90, %dma_wait3A_808] : memref<128x49152xf32, #tpu.memory_space<hbm>> -> memref<1x49152xf32, #tpu.memory_space<hbm>>
      %dma_wait3A_810 = arith.constant 0 : i32
      %dma_wait3A_811 = tpu.memref_slice %arg2[%reduce_sum3A_90, %dma_wait3A_810] : memref<128x49152xf32, #tpu.memory_space<hbm>> -> memref<1x49152xf32, #tpu.memory_space<hbm>>
      tpu.wait_dma2 semaphore(%arg10 : memref<!tpu.dma_semaphore, #tpu.memory_space<semaphore_mem>>) src(%dma_wait3A_811 : memref<1x49152xf32, #tpu.memory_space<hbm>>) dst(%arg9 : memref<1x49152xf32, #tpu.memory_space<vmem>>)
    } else {
    }
    %convert_element_type3A_634 = arith.extui %eq3A_431 : i1 to i32
    %cond3A_635 = arith.constant 0 : i32
    %cond3A_636 = arith.cmpi ne, %convert_element_type3A_634, %cond3A_635 : i32
    scf.if %cond3A_636 {
      %dma_start3A_804 = arith.constant 0 : i32
      %dma_start3A_805 = tpu.memref_slice %arg5[%reduce_sum3A_250, %dma_start3A_804] : memref<512x49152xf32, #tpu.memory_space<hbm>> -> memref<1x49152xf32, #tpu.memory_space<hbm>>
      %dma_start3A_806 = arith.constant 0 : i32
      %dma_start3A_807 = tpu.memref_slice %arg5[%reduce_sum3A_250, %dma_start3A_806] : memref<512x49152xf32, #tpu.memory_space<hbm>> -> memref<1x49152xf32, #tpu.memory_space<hbm>>
      tpu.enqueue_dma source(%arg8 : memref<1x49152xf32, #tpu.memory_space<vmem>>) target(%dma_start3A_807 : memref<1x49152xf32, #tpu.memory_space<hbm>>) target_semaphore(%arg19 : memref<!tpu.dma_semaphore, #tpu.memory_space<semaphore_mem>>)
    } else {
    }
    %not3A_637 = arith.constant true
    %not3A_638 = arith.xori %eq3A_431, %not3A_637 : i1
    %convert_element_type3A_639 = arith.extui %not3A_638 : i1 to i32
    %cond3A_640 = arith.constant 0 : i32
    %cond3A_641 = arith.cmpi ne, %convert_element_type3A_639, %cond3A_640 : i32
    scf.if %cond3A_641 {
      %dma_start3A_804 = arith.constant 0 : i32
      %dma_start3A_805 = tpu.memref_slice %arg5[%reduce_sum3A_250, %dma_start3A_804] : memref<512x49152xf32, #tpu.memory_space<hbm>> -> memref<1x49152xf32, #tpu.memory_space<hbm>>
      %dma_start3A_806 = arith.constant 0 : i32
      %dma_start3A_807 = tpu.memref_slice %arg5[%reduce_sum3A_250, %dma_start3A_806] : memref<512x49152xf32, #tpu.memory_space<hbm>> -> memref<1x49152xf32, #tpu.memory_space<hbm>>
      tpu.enqueue_dma source(%arg9 : memref<1x49152xf32, #tpu.memory_space<vmem>>) target(%dma_start3A_807 : memref<1x49152xf32, #tpu.memory_space<hbm>>) target_semaphore(%arg19 : memref<!tpu.dma_semaphore, #tpu.memory_space<semaphore_mem>>)
    } else {
    }
    %dma_wait3A_642 = arith.constant 0 : i32
    %dma_wait3A_643 = tpu.memref_slice %arg5[%reduce_sum3A_240, %dma_wait3A_642] : memref<512x49152xf32, #tpu.memory_space<hbm>> -> memref<1x49152xf32, #tpu.memory_space<hbm>>
    %dma_wait3A_644 = arith.constant 0 : i32
    %dma_wait3A_645 = tpu.memref_slice %arg5[%reduce_sum3A_240, %dma_wait3A_644] : memref<512x49152xf32, #tpu.memory_space<hbm>> -> memref<1x49152xf32, #tpu.memory_space<hbm>>
    tpu.wait_dma2 semaphore(%arg18 : memref<!tpu.dma_semaphore, #tpu.memory_space<semaphore_mem>>) src(%arg8 : memref<1x49152xf32, #tpu.memory_space<vmem>>) dst(%dma_wait3A_645 : memref<1x49152xf32, #tpu.memory_space<hbm>>)
    %and3A_646 = arith.andi %ne3A_328, %eq3A_435 : i1
    %convert_element_type3A_647 = arith.extui %and3A_646 : i1 to i32
    %cond3A_648 = arith.constant 0 : i32
    %cond3A_649 = arith.cmpi ne, %convert_element_type3A_647, %cond3A_648 : i32
    scf.if %cond3A_649 {
      %dma_start3A_804 = arith.constant 0 : i32
      %dma_start3A_805 = tpu.memref_slice %arg2[%reduce_sum3A_100, %dma_start3A_804] : memref<128x49152xf32, #tpu.memory_space<hbm>> -> memref<1x49152xf32, #tpu.memory_space<hbm>>
      %dma_start3A_806 = arith.constant 0 : i32
      %dma_start3A_807 = tpu.memref_slice %arg2[%reduce_sum3A_100, %dma_start3A_806] : memref<128x49152xf32, #tpu.memory_space<hbm>> -> memref<1x49152xf32, #tpu.memory_space<hbm>>
      tpu.enqueue_dma source(%dma_start3A_807 : memref<1x49152xf32, #tpu.memory_space<hbm>>) target(%arg8 : memref<1x49152xf32, #tpu.memory_space<vmem>>) target_semaphore(%arg10 : memref<!tpu.dma_semaphore, #tpu.memory_space<semaphore_mem>>)
      %dma_wait3A_808 = arith.constant 0 : i32
      %dma_wait3A_809 = tpu.memref_slice %arg2[%reduce_sum3A_100, %dma_wait3A_808] : memref<128x49152xf32, #tpu.memory_space<hbm>> -> memref<1x49152xf32, #tpu.memory_space<hbm>>
      %dma_wait3A_810 = arith.constant 0 : i32
      %dma_wait3A_811 = tpu.memref_slice %arg2[%reduce_sum3A_100, %dma_wait3A_810] : memref<128x49152xf32, #tpu.memory_space<hbm>> -> memref<1x49152xf32, #tpu.memory_space<hbm>>
      tpu.wait_dma2 semaphore(%arg10 : memref<!tpu.dma_semaphore, #tpu.memory_space<semaphore_mem>>) src(%dma_wait3A_811 : memref<1x49152xf32, #tpu.memory_space<hbm>>) dst(%arg8 : memref<1x49152xf32, #tpu.memory_space<vmem>>)
    } else {
    }
    %not3A_650 = arith.constant true
    %not3A_651 = arith.xori %eq3A_435, %not3A_650 : i1
    %and3A_652 = arith.andi %ne3A_328, %not3A_651 : i1
    %convert_element_type3A_653 = arith.extui %and3A_652 : i1 to i32
    %cond3A_654 = arith.constant 0 : i32
    %cond3A_655 = arith.cmpi ne, %convert_element_type3A_653, %cond3A_654 : i32
    scf.if %cond3A_655 {
      %dma_start3A_804 = arith.constant 0 : i32
      %dma_start3A_805 = tpu.memref_slice %arg2[%reduce_sum3A_100, %dma_start3A_804] : memref<128x49152xf32, #tpu.memory_space<hbm>> -> memref<1x49152xf32, #tpu.memory_space<hbm>>
      %dma_start3A_806 = arith.constant 0 : i32
      %dma_start3A_807 = tpu.memref_slice %arg2[%reduce_sum3A_100, %dma_start3A_806] : memref<128x49152xf32, #tpu.memory_space<hbm>> -> memref<1x49152xf32, #tpu.memory_space<hbm>>
      tpu.enqueue_dma source(%dma_start3A_807 : memref<1x49152xf32, #tpu.memory_space<hbm>>) target(%arg9 : memref<1x49152xf32, #tpu.memory_space<vmem>>) target_semaphore(%arg10 : memref<!tpu.dma_semaphore, #tpu.memory_space<semaphore_mem>>)
      %dma_wait3A_808 = arith.constant 0 : i32
      %dma_wait3A_809 = tpu.memref_slice %arg2[%reduce_sum3A_100, %dma_wait3A_808] : memref<128x49152xf32, #tpu.memory_space<hbm>> -> memref<1x49152xf32, #tpu.memory_space<hbm>>
      %dma_wait3A_810 = arith.constant 0 : i32
      %dma_wait3A_811 = tpu.memref_slice %arg2[%reduce_sum3A_100, %dma_wait3A_810] : memref<128x49152xf32, #tpu.memory_space<hbm>> -> memref<1x49152xf32, #tpu.memory_space<hbm>>
      tpu.wait_dma2 semaphore(%arg10 : memref<!tpu.dma_semaphore, #tpu.memory_space<semaphore_mem>>) src(%dma_wait3A_811 : memref<1x49152xf32, #tpu.memory_space<hbm>>) dst(%arg9 : memref<1x49152xf32, #tpu.memory_space<vmem>>)
    } else {
    }
    %convert_element_type3A_656 = arith.extui %eq3A_435 : i1 to i32
    %cond3A_657 = arith.constant 0 : i32
    %cond3A_658 = arith.cmpi ne, %convert_element_type3A_656, %cond3A_657 : i32
    scf.if %cond3A_658 {
      %dma_start3A_804 = arith.constant 0 : i32
      %dma_start3A_805 = tpu.memref_slice %arg5[%reduce_sum3A_260, %dma_start3A_804] : memref<512x49152xf32, #tpu.memory_space<hbm>> -> memref<1x49152xf32, #tpu.memory_space<hbm>>
      %dma_start3A_806 = arith.constant 0 : i32
      %dma_start3A_807 = tpu.memref_slice %arg5[%reduce_sum3A_260, %dma_start3A_806] : memref<512x49152xf32, #tpu.memory_space<hbm>> -> memref<1x49152xf32, #tpu.memory_space<hbm>>
      tpu.enqueue_dma source(%arg8 : memref<1x49152xf32, #tpu.memory_space<vmem>>) target(%dma_start3A_807 : memref<1x49152xf32, #tpu.memory_space<hbm>>) target_semaphore(%arg20 : memref<!tpu.dma_semaphore, #tpu.memory_space<semaphore_mem>>)
    } else {
    }
    %not3A_659 = arith.constant true
    %not3A_660 = arith.xori %eq3A_435, %not3A_659 : i1
    %convert_element_type3A_661 = arith.extui %not3A_660 : i1 to i32
    %cond3A_662 = arith.constant 0 : i32
    %cond3A_663 = arith.cmpi ne, %convert_element_type3A_661, %cond3A_662 : i32
    scf.if %cond3A_663 {
      %dma_start3A_804 = arith.constant 0 : i32
      %dma_start3A_805 = tpu.memref_slice %arg5[%reduce_sum3A_260, %dma_start3A_804] : memref<512x49152xf32, #tpu.memory_space<hbm>> -> memref<1x49152xf32, #tpu.memory_space<hbm>>
      %dma_start3A_806 = arith.constant 0 : i32
      %dma_start3A_807 = tpu.memref_slice %arg5[%reduce_sum3A_260, %dma_start3A_806] : memref<512x49152xf32, #tpu.memory_space<hbm>> -> memref<1x49152xf32, #tpu.memory_space<hbm>>
      tpu.enqueue_dma source(%arg9 : memref<1x49152xf32, #tpu.memory_space<vmem>>) target(%dma_start3A_807 : memref<1x49152xf32, #tpu.memory_space<hbm>>) target_semaphore(%arg20 : memref<!tpu.dma_semaphore, #tpu.memory_space<semaphore_mem>>)
    } else {
    }
    %dma_wait3A_664 = arith.constant 0 : i32
    %dma_wait3A_665 = tpu.memref_slice %arg5[%reduce_sum3A_250, %dma_wait3A_664] : memref<512x49152xf32, #tpu.memory_space<hbm>> -> memref<1x49152xf32, #tpu.memory_space<hbm>>
    %dma_wait3A_666 = arith.constant 0 : i32
    %dma_wait3A_667 = tpu.memref_slice %arg5[%reduce_sum3A_250, %dma_wait3A_666] : memref<512x49152xf32, #tpu.memory_space<hbm>> -> memref<1x49152xf32, #tpu.memory_space<hbm>>
    tpu.wait_dma2 semaphore(%arg19 : memref<!tpu.dma_semaphore, #tpu.memory_space<semaphore_mem>>) src(%arg8 : memref<1x49152xf32, #tpu.memory_space<vmem>>) dst(%dma_wait3A_667 : memref<1x49152xf32, #tpu.memory_space<hbm>>)
    %and3A_668 = arith.andi %ne3A_329, %eq3A_439 : i1
    %convert_element_type3A_669 = arith.extui %and3A_668 : i1 to i32
    %cond3A_670 = arith.constant 0 : i32
    %cond3A_671 = arith.cmpi ne, %convert_element_type3A_669, %cond3A_670 : i32
    scf.if %cond3A_671 {
      %dma_start3A_804 = arith.constant 0 : i32
      %dma_start3A_805 = tpu.memref_slice %arg2[%reduce_sum3A_110, %dma_start3A_804] : memref<128x49152xf32, #tpu.memory_space<hbm>> -> memref<1x49152xf32, #tpu.memory_space<hbm>>
      %dma_start3A_806 = arith.constant 0 : i32
      %dma_start3A_807 = tpu.memref_slice %arg2[%reduce_sum3A_110, %dma_start3A_806] : memref<128x49152xf32, #tpu.memory_space<hbm>> -> memref<1x49152xf32, #tpu.memory_space<hbm>>
      tpu.enqueue_dma source(%dma_start3A_807 : memref<1x49152xf32, #tpu.memory_space<hbm>>) target(%arg8 : memref<1x49152xf32, #tpu.memory_space<vmem>>) target_semaphore(%arg10 : memref<!tpu.dma_semaphore, #tpu.memory_space<semaphore_mem>>)
      %dma_wait3A_808 = arith.constant 0 : i32
      %dma_wait3A_809 = tpu.memref_slice %arg2[%reduce_sum3A_110, %dma_wait3A_808] : memref<128x49152xf32, #tpu.memory_space<hbm>> -> memref<1x49152xf32, #tpu.memory_space<hbm>>
      %dma_wait3A_810 = arith.constant 0 : i32
      %dma_wait3A_811 = tpu.memref_slice %arg2[%reduce_sum3A_110, %dma_wait3A_810] : memref<128x49152xf32, #tpu.memory_space<hbm>> -> memref<1x49152xf32, #tpu.memory_space<hbm>>
      tpu.wait_dma2 semaphore(%arg10 : memref<!tpu.dma_semaphore, #tpu.memory_space<semaphore_mem>>) src(%dma_wait3A_811 : memref<1x49152xf32, #tpu.memory_space<hbm>>) dst(%arg8 : memref<1x49152xf32, #tpu.memory_space<vmem>>)
    } else {
    }
    %not3A_672 = arith.constant true
    %not3A_673 = arith.xori %eq3A_439, %not3A_672 : i1
    %and3A_674 = arith.andi %ne3A_329, %not3A_673 : i1
    %convert_element_type3A_675 = arith.extui %and3A_674 : i1 to i32
    %cond3A_676 = arith.constant 0 : i32
    %cond3A_677 = arith.cmpi ne, %convert_element_type3A_675, %cond3A_676 : i32
    scf.if %cond3A_677 {
      %dma_start3A_804 = arith.constant 0 : i32
      %dma_start3A_805 = tpu.memref_slice %arg2[%reduce_sum3A_110, %dma_start3A_804] : memref<128x49152xf32, #tpu.memory_space<hbm>> -> memref<1x49152xf32, #tpu.memory_space<hbm>>
      %dma_start3A_806 = arith.constant 0 : i32
      %dma_start3A_807 = tpu.memref_slice %arg2[%reduce_sum3A_110, %dma_start3A_806] : memref<128x49152xf32, #tpu.memory_space<hbm>> -> memref<1x49152xf32, #tpu.memory_space<hbm>>
      tpu.enqueue_dma source(%dma_start3A_807 : memref<1x49152xf32, #tpu.memory_space<hbm>>) target(%arg9 : memref<1x49152xf32, #tpu.memory_space<vmem>>) target_semaphore(%arg10 : memref<!tpu.dma_semaphore, #tpu.memory_space<semaphore_mem>>)
      %dma_wait3A_808 = arith.constant 0 : i32
      %dma_wait3A_809 = tpu.memref_slice %arg2[%reduce_sum3A_110, %dma_wait3A_808] : memref<128x49152xf32, #tpu.memory_space<hbm>> -> memref<1x49152xf32, #tpu.memory_space<hbm>>
      %dma_wait3A_810 = arith.constant 0 : i32
      %dma_wait3A_811 = tpu.memref_slice %arg2[%reduce_sum3A_110, %dma_wait3A_810] : memref<128x49152xf32, #tpu.memory_space<hbm>> -> memref<1x49152xf32, #tpu.memory_space<hbm>>
      tpu.wait_dma2 semaphore(%arg10 : memref<!tpu.dma_semaphore, #tpu.memory_space<semaphore_mem>>) src(%dma_wait3A_811 : memref<1x49152xf32, #tpu.memory_space<hbm>>) dst(%arg9 : memref<1x49152xf32, #tpu.memory_space<vmem>>)
    } else {
    }
    %convert_element_type3A_678 = arith.extui %eq3A_439 : i1 to i32
    %cond3A_679 = arith.constant 0 : i32
    %cond3A_680 = arith.cmpi ne, %convert_element_type3A_678, %cond3A_679 : i32
    scf.if %cond3A_680 {
      %dma_start3A_804 = arith.constant 0 : i32
      %dma_start3A_805 = tpu.memref_slice %arg5[%reduce_sum3A_270, %dma_start3A_804] : memref<512x49152xf32, #tpu.memory_space<hbm>> -> memref<1x49152xf32, #tpu.memory_space<hbm>>
      %dma_start3A_806 = arith.constant 0 : i32
      %dma_start3A_807 = tpu.memref_slice %arg5[%reduce_sum3A_270, %dma_start3A_806] : memref<512x49152xf32, #tpu.memory_space<hbm>> -> memref<1x49152xf32, #tpu.memory_space<hbm>>
      tpu.enqueue_dma source(%arg8 : memref<1x49152xf32, #tpu.memory_space<vmem>>) target(%dma_start3A_807 : memref<1x49152xf32, #tpu.memory_space<hbm>>) target_semaphore(%arg21 : memref<!tpu.dma_semaphore, #tpu.memory_space<semaphore_mem>>)
    } else {
    }
    %not3A_681 = arith.constant true
    %not3A_682 = arith.xori %eq3A_439, %not3A_681 : i1
    %convert_element_type3A_683 = arith.extui %not3A_682 : i1 to i32
    %cond3A_684 = arith.constant 0 : i32
    %cond3A_685 = arith.cmpi ne, %convert_element_type3A_683, %cond3A_684 : i32
    scf.if %cond3A_685 {
      %dma_start3A_804 = arith.constant 0 : i32
      %dma_start3A_805 = tpu.memref_slice %arg5[%reduce_sum3A_270, %dma_start3A_804] : memref<512x49152xf32, #tpu.memory_space<hbm>> -> memref<1x49152xf32, #tpu.memory_space<hbm>>
      %dma_start3A_806 = arith.constant 0 : i32
      %dma_start3A_807 = tpu.memref_slice %arg5[%reduce_sum3A_270, %dma_start3A_806] : memref<512x49152xf32, #tpu.memory_space<hbm>> -> memref<1x49152xf32, #tpu.memory_space<hbm>>
      tpu.enqueue_dma source(%arg9 : memref<1x49152xf32, #tpu.memory_space<vmem>>) target(%dma_start3A_807 : memref<1x49152xf32, #tpu.memory_space<hbm>>) target_semaphore(%arg21 : memref<!tpu.dma_semaphore, #tpu.memory_space<semaphore_mem>>)
    } else {
    }
    %dma_wait3A_686 = arith.constant 0 : i32
    %dma_wait3A_687 = tpu.memref_slice %arg5[%reduce_sum3A_260, %dma_wait3A_686] : memref<512x49152xf32, #tpu.memory_space<hbm>> -> memref<1x49152xf32, #tpu.memory_space<hbm>>
    %dma_wait3A_688 = arith.constant 0 : i32
    %dma_wait3A_689 = tpu.memref_slice %arg5[%reduce_sum3A_260, %dma_wait3A_688] : memref<512x49152xf32, #tpu.memory_space<hbm>> -> memref<1x49152xf32, #tpu.memory_space<hbm>>
    tpu.wait_dma2 semaphore(%arg20 : memref<!tpu.dma_semaphore, #tpu.memory_space<semaphore_mem>>) src(%arg8 : memref<1x49152xf32, #tpu.memory_space<vmem>>) dst(%dma_wait3A_689 : memref<1x49152xf32, #tpu.memory_space<hbm>>)
    %and3A_690 = arith.andi %ne3A_330, %eq3A_443 : i1
    %convert_element_type3A_691 = arith.extui %and3A_690 : i1 to i32
    %cond3A_692 = arith.constant 0 : i32
    %cond3A_693 = arith.cmpi ne, %convert_element_type3A_691, %cond3A_692 : i32
    scf.if %cond3A_693 {
      %dma_start3A_804 = arith.constant 0 : i32
      %dma_start3A_805 = tpu.memref_slice %arg2[%reduce_sum3A_120, %dma_start3A_804] : memref<128x49152xf32, #tpu.memory_space<hbm>> -> memref<1x49152xf32, #tpu.memory_space<hbm>>
      %dma_start3A_806 = arith.constant 0 : i32
      %dma_start3A_807 = tpu.memref_slice %arg2[%reduce_sum3A_120, %dma_start3A_806] : memref<128x49152xf32, #tpu.memory_space<hbm>> -> memref<1x49152xf32, #tpu.memory_space<hbm>>
      tpu.enqueue_dma source(%dma_start3A_807 : memref<1x49152xf32, #tpu.memory_space<hbm>>) target(%arg8 : memref<1x49152xf32, #tpu.memory_space<vmem>>) target_semaphore(%arg10 : memref<!tpu.dma_semaphore, #tpu.memory_space<semaphore_mem>>)
      %dma_wait3A_808 = arith.constant 0 : i32
      %dma_wait3A_809 = tpu.memref_slice %arg2[%reduce_sum3A_120, %dma_wait3A_808] : memref<128x49152xf32, #tpu.memory_space<hbm>> -> memref<1x49152xf32, #tpu.memory_space<hbm>>
      %dma_wait3A_810 = arith.constant 0 : i32
      %dma_wait3A_811 = tpu.memref_slice %arg2[%reduce_sum3A_120, %dma_wait3A_810] : memref<128x49152xf32, #tpu.memory_space<hbm>> -> memref<1x49152xf32, #tpu.memory_space<hbm>>
      tpu.wait_dma2 semaphore(%arg10 : memref<!tpu.dma_semaphore, #tpu.memory_space<semaphore_mem>>) src(%dma_wait3A_811 : memref<1x49152xf32, #tpu.memory_space<hbm>>) dst(%arg8 : memref<1x49152xf32, #tpu.memory_space<vmem>>)
    } else {
    }
    %not3A_694 = arith.constant true
    %not3A_695 = arith.xori %eq3A_443, %not3A_694 : i1
    %and3A_696 = arith.andi %ne3A_330, %not3A_695 : i1
    %convert_element_type3A_697 = arith.extui %and3A_696 : i1 to i32
    %cond3A_698 = arith.constant 0 : i32
    %cond3A_699 = arith.cmpi ne, %convert_element_type3A_697, %cond3A_698 : i32
    scf.if %cond3A_699 {
      %dma_start3A_804 = arith.constant 0 : i32
      %dma_start3A_805 = tpu.memref_slice %arg2[%reduce_sum3A_120, %dma_start3A_804] : memref<128x49152xf32, #tpu.memory_space<hbm>> -> memref<1x49152xf32, #tpu.memory_space<hbm>>
      %dma_start3A_806 = arith.constant 0 : i32
      %dma_start3A_807 = tpu.memref_slice %arg2[%reduce_sum3A_120, %dma_start3A_806] : memref<128x49152xf32, #tpu.memory_space<hbm>> -> memref<1x49152xf32, #tpu.memory_space<hbm>>
      tpu.enqueue_dma source(%dma_start3A_807 : memref<1x49152xf32, #tpu.memory_space<hbm>>) target(%arg9 : memref<1x49152xf32, #tpu.memory_space<vmem>>) target_semaphore(%arg10 : memref<!tpu.dma_semaphore, #tpu.memory_space<semaphore_mem>>)
      %dma_wait3A_808 = arith.constant 0 : i32
      %dma_wait3A_809 = tpu.memref_slice %arg2[%reduce_sum3A_120, %dma_wait3A_808] : memref<128x49152xf32, #tpu.memory_space<hbm>> -> memref<1x49152xf32, #tpu.memory_space<hbm>>
      %dma_wait3A_810 = arith.constant 0 : i32
      %dma_wait3A_811 = tpu.memref_slice %arg2[%reduce_sum3A_120, %dma_wait3A_810] : memref<128x49152xf32, #tpu.memory_space<hbm>> -> memref<1x49152xf32, #tpu.memory_space<hbm>>
      tpu.wait_dma2 semaphore(%arg10 : memref<!tpu.dma_semaphore, #tpu.memory_space<semaphore_mem>>) src(%dma_wait3A_811 : memref<1x49152xf32, #tpu.memory_space<hbm>>) dst(%arg9 : memref<1x49152xf32, #tpu.memory_space<vmem>>)
    } else {
    }
    %convert_element_type3A_700 = arith.extui %eq3A_443 : i1 to i32
    %cond3A_701 = arith.constant 0 : i32
    %cond3A_702 = arith.cmpi ne, %convert_element_type3A_700, %cond3A_701 : i32
    scf.if %cond3A_702 {
      %dma_start3A_804 = arith.constant 0 : i32
      %dma_start3A_805 = tpu.memref_slice %arg5[%reduce_sum3A_280, %dma_start3A_804] : memref<512x49152xf32, #tpu.memory_space<hbm>> -> memref<1x49152xf32, #tpu.memory_space<hbm>>
      %dma_start3A_806 = arith.constant 0 : i32
      %dma_start3A_807 = tpu.memref_slice %arg5[%reduce_sum3A_280, %dma_start3A_806] : memref<512x49152xf32, #tpu.memory_space<hbm>> -> memref<1x49152xf32, #tpu.memory_space<hbm>>
      tpu.enqueue_dma source(%arg8 : memref<1x49152xf32, #tpu.memory_space<vmem>>) target(%dma_start3A_807 : memref<1x49152xf32, #tpu.memory_space<hbm>>) target_semaphore(%arg22 : memref<!tpu.dma_semaphore, #tpu.memory_space<semaphore_mem>>)
    } else {
    }
    %not3A_703 = arith.constant true
    %not3A_704 = arith.xori %eq3A_443, %not3A_703 : i1
    %convert_element_type3A_705 = arith.extui %not3A_704 : i1 to i32
    %cond3A_706 = arith.constant 0 : i32
    %cond3A_707 = arith.cmpi ne, %convert_element_type3A_705, %cond3A_706 : i32
    scf.if %cond3A_707 {
      %dma_start3A_804 = arith.constant 0 : i32
      %dma_start3A_805 = tpu.memref_slice %arg5[%reduce_sum3A_280, %dma_start3A_804] : memref<512x49152xf32, #tpu.memory_space<hbm>> -> memref<1x49152xf32, #tpu.memory_space<hbm>>
      %dma_start3A_806 = arith.constant 0 : i32
      %dma_start3A_807 = tpu.memref_slice %arg5[%reduce_sum3A_280, %dma_start3A_806] : memref<512x49152xf32, #tpu.memory_space<hbm>> -> memref<1x49152xf32, #tpu.memory_space<hbm>>
      tpu.enqueue_dma source(%arg9 : memref<1x49152xf32, #tpu.memory_space<vmem>>) target(%dma_start3A_807 : memref<1x49152xf32, #tpu.memory_space<hbm>>) target_semaphore(%arg22 : memref<!tpu.dma_semaphore, #tpu.memory_space<semaphore_mem>>)
    } else {
    }
    %dma_wait3A_708 = arith.constant 0 : i32
    %dma_wait3A_709 = tpu.memref_slice %arg5[%reduce_sum3A_270, %dma_wait3A_708] : memref<512x49152xf32, #tpu.memory_space<hbm>> -> memref<1x49152xf32, #tpu.memory_space<hbm>>
    %dma_wait3A_710 = arith.constant 0 : i32
    %dma_wait3A_711 = tpu.memref_slice %arg5[%reduce_sum3A_270, %dma_wait3A_710] : memref<512x49152xf32, #tpu.memory_space<hbm>> -> memref<1x49152xf32, #tpu.memory_space<hbm>>
    tpu.wait_dma2 semaphore(%arg21 : memref<!tpu.dma_semaphore, #tpu.memory_space<semaphore_mem>>) src(%arg8 : memref<1x49152xf32, #tpu.memory_space<vmem>>) dst(%dma_wait3A_711 : memref<1x49152xf32, #tpu.memory_space<hbm>>)
    %and3A_712 = arith.andi %ne3A_331, %eq3A_447 : i1
    %convert_element_type3A_713 = arith.extui %and3A_712 : i1 to i32
    %cond3A_714 = arith.constant 0 : i32
    %cond3A_715 = arith.cmpi ne, %convert_element_type3A_713, %cond3A_714 : i32
    scf.if %cond3A_715 {
      %dma_start3A_804 = arith.constant 0 : i32
      %dma_start3A_805 = tpu.memref_slice %arg2[%reduce_sum3A_130, %dma_start3A_804] : memref<128x49152xf32, #tpu.memory_space<hbm>> -> memref<1x49152xf32, #tpu.memory_space<hbm>>
      %dma_start3A_806 = arith.constant 0 : i32
      %dma_start3A_807 = tpu.memref_slice %arg2[%reduce_sum3A_130, %dma_start3A_806] : memref<128x49152xf32, #tpu.memory_space<hbm>> -> memref<1x49152xf32, #tpu.memory_space<hbm>>
      tpu.enqueue_dma source(%dma_start3A_807 : memref<1x49152xf32, #tpu.memory_space<hbm>>) target(%arg8 : memref<1x49152xf32, #tpu.memory_space<vmem>>) target_semaphore(%arg10 : memref<!tpu.dma_semaphore, #tpu.memory_space<semaphore_mem>>)
      %dma_wait3A_808 = arith.constant 0 : i32
      %dma_wait3A_809 = tpu.memref_slice %arg2[%reduce_sum3A_130, %dma_wait3A_808] : memref<128x49152xf32, #tpu.memory_space<hbm>> -> memref<1x49152xf32, #tpu.memory_space<hbm>>
      %dma_wait3A_810 = arith.constant 0 : i32
      %dma_wait3A_811 = tpu.memref_slice %arg2[%reduce_sum3A_130, %dma_wait3A_810] : memref<128x49152xf32, #tpu.memory_space<hbm>> -> memref<1x49152xf32, #tpu.memory_space<hbm>>
      tpu.wait_dma2 semaphore(%arg10 : memref<!tpu.dma_semaphore, #tpu.memory_space<semaphore_mem>>) src(%dma_wait3A_811 : memref<1x49152xf32, #tpu.memory_space<hbm>>) dst(%arg8 : memref<1x49152xf32, #tpu.memory_space<vmem>>)
    } else {
    }
    %not3A_716 = arith.constant true
    %not3A_717 = arith.xori %eq3A_447, %not3A_716 : i1
    %and3A_718 = arith.andi %ne3A_331, %not3A_717 : i1
    %convert_element_type3A_719 = arith.extui %and3A_718 : i1 to i32
    %cond3A_720 = arith.constant 0 : i32
    %cond3A_721 = arith.cmpi ne, %convert_element_type3A_719, %cond3A_720 : i32
    scf.if %cond3A_721 {
      %dma_start3A_804 = arith.constant 0 : i32
      %dma_start3A_805 = tpu.memref_slice %arg2[%reduce_sum3A_130, %dma_start3A_804] : memref<128x49152xf32, #tpu.memory_space<hbm>> -> memref<1x49152xf32, #tpu.memory_space<hbm>>
      %dma_start3A_806 = arith.constant 0 : i32
      %dma_start3A_807 = tpu.memref_slice %arg2[%reduce_sum3A_130, %dma_start3A_806] : memref<128x49152xf32, #tpu.memory_space<hbm>> -> memref<1x49152xf32, #tpu.memory_space<hbm>>
      tpu.enqueue_dma source(%dma_start3A_807 : memref<1x49152xf32, #tpu.memory_space<hbm>>) target(%arg9 : memref<1x49152xf32, #tpu.memory_space<vmem>>) target_semaphore(%arg10 : memref<!tpu.dma_semaphore, #tpu.memory_space<semaphore_mem>>)
      %dma_wait3A_808 = arith.constant 0 : i32
      %dma_wait3A_809 = tpu.memref_slice %arg2[%reduce_sum3A_130, %dma_wait3A_808] : memref<128x49152xf32, #tpu.memory_space<hbm>> -> memref<1x49152xf32, #tpu.memory_space<hbm>>
      %dma_wait3A_810 = arith.constant 0 : i32
      %dma_wait3A_811 = tpu.memref_slice %arg2[%reduce_sum3A_130, %dma_wait3A_810] : memref<128x49152xf32, #tpu.memory_space<hbm>> -> memref<1x49152xf32, #tpu.memory_space<hbm>>
      tpu.wait_dma2 semaphore(%arg10 : memref<!tpu.dma_semaphore, #tpu.memory_space<semaphore_mem>>) src(%dma_wait3A_811 : memref<1x49152xf32, #tpu.memory_space<hbm>>) dst(%arg9 : memref<1x49152xf32, #tpu.memory_space<vmem>>)
    } else {
    }
    %convert_element_type3A_722 = arith.extui %eq3A_447 : i1 to i32
    %cond3A_723 = arith.constant 0 : i32
    %cond3A_724 = arith.cmpi ne, %convert_element_type3A_722, %cond3A_723 : i32
    scf.if %cond3A_724 {
      %dma_start3A_804 = arith.constant 0 : i32
      %dma_start3A_805 = tpu.memref_slice %arg5[%reduce_sum3A_290, %dma_start3A_804] : memref<512x49152xf32, #tpu.memory_space<hbm>> -> memref<1x49152xf32, #tpu.memory_space<hbm>>
      %dma_start3A_806 = arith.constant 0 : i32
      %dma_start3A_807 = tpu.memref_slice %arg5[%reduce_sum3A_290, %dma_start3A_806] : memref<512x49152xf32, #tpu.memory_space<hbm>> -> memref<1x49152xf32, #tpu.memory_space<hbm>>
      tpu.enqueue_dma source(%arg8 : memref<1x49152xf32, #tpu.memory_space<vmem>>) target(%dma_start3A_807 : memref<1x49152xf32, #tpu.memory_space<hbm>>) target_semaphore(%arg23 : memref<!tpu.dma_semaphore, #tpu.memory_space<semaphore_mem>>)
    } else {
    }
    %not3A_725 = arith.constant true
    %not3A_726 = arith.xori %eq3A_447, %not3A_725 : i1
    %convert_element_type3A_727 = arith.extui %not3A_726 : i1 to i32
    %cond3A_728 = arith.constant 0 : i32
    %cond3A_729 = arith.cmpi ne, %convert_element_type3A_727, %cond3A_728 : i32
    scf.if %cond3A_729 {
      %dma_start3A_804 = arith.constant 0 : i32
      %dma_start3A_805 = tpu.memref_slice %arg5[%reduce_sum3A_290, %dma_start3A_804] : memref<512x49152xf32, #tpu.memory_space<hbm>> -> memref<1x49152xf32, #tpu.memory_space<hbm>>
      %dma_start3A_806 = arith.constant 0 : i32
      %dma_start3A_807 = tpu.memref_slice %arg5[%reduce_sum3A_290, %dma_start3A_806] : memref<512x49152xf32, #tpu.memory_space<hbm>> -> memref<1x49152xf32, #tpu.memory_space<hbm>>
      tpu.enqueue_dma source(%arg9 : memref<1x49152xf32, #tpu.memory_space<vmem>>) target(%dma_start3A_807 : memref<1x49152xf32, #tpu.memory_space<hbm>>) target_semaphore(%arg23 : memref<!tpu.dma_semaphore, #tpu.memory_space<semaphore_mem>>)
    } else {
    }
    %dma_wait3A_730 = arith.constant 0 : i32
    %dma_wait3A_731 = tpu.memref_slice %arg5[%reduce_sum3A_280, %dma_wait3A_730] : memref<512x49152xf32, #tpu.memory_space<hbm>> -> memref<1x49152xf32, #tpu.memory_space<hbm>>
    %dma_wait3A_732 = arith.constant 0 : i32
    %dma_wait3A_733 = tpu.memref_slice %arg5[%reduce_sum3A_280, %dma_wait3A_732] : memref<512x49152xf32, #tpu.memory_space<hbm>> -> memref<1x49152xf32, #tpu.memory_space<hbm>>
    tpu.wait_dma2 semaphore(%arg22 : memref<!tpu.dma_semaphore, #tpu.memory_space<semaphore_mem>>) src(%arg8 : memref<1x49152xf32, #tpu.memory_space<vmem>>) dst(%dma_wait3A_733 : memref<1x49152xf32, #tpu.memory_space<hbm>>)
    %and3A_734 = arith.andi %ne3A_332, %eq3A_451 : i1
    %convert_element_type3A_735 = arith.extui %and3A_734 : i1 to i32
    %cond3A_736 = arith.constant 0 : i32
    %cond3A_737 = arith.cmpi ne, %convert_element_type3A_735, %cond3A_736 : i32
    scf.if %cond3A_737 {
      %dma_start3A_804 = arith.constant 0 : i32
      %dma_start3A_805 = tpu.memref_slice %arg2[%reduce_sum3A_140, %dma_start3A_804] : memref<128x49152xf32, #tpu.memory_space<hbm>> -> memref<1x49152xf32, #tpu.memory_space<hbm>>
      %dma_start3A_806 = arith.constant 0 : i32
      %dma_start3A_807 = tpu.memref_slice %arg2[%reduce_sum3A_140, %dma_start3A_806] : memref<128x49152xf32, #tpu.memory_space<hbm>> -> memref<1x49152xf32, #tpu.memory_space<hbm>>
      tpu.enqueue_dma source(%dma_start3A_807 : memref<1x49152xf32, #tpu.memory_space<hbm>>) target(%arg8 : memref<1x49152xf32, #tpu.memory_space<vmem>>) target_semaphore(%arg10 : memref<!tpu.dma_semaphore, #tpu.memory_space<semaphore_mem>>)
      %dma_wait3A_808 = arith.constant 0 : i32
      %dma_wait3A_809 = tpu.memref_slice %arg2[%reduce_sum3A_140, %dma_wait3A_808] : memref<128x49152xf32, #tpu.memory_space<hbm>> -> memref<1x49152xf32, #tpu.memory_space<hbm>>
      %dma_wait3A_810 = arith.constant 0 : i32
      %dma_wait3A_811 = tpu.memref_slice %arg2[%reduce_sum3A_140, %dma_wait3A_810] : memref<128x49152xf32, #tpu.memory_space<hbm>> -> memref<1x49152xf32, #tpu.memory_space<hbm>>
      tpu.wait_dma2 semaphore(%arg10 : memref<!tpu.dma_semaphore, #tpu.memory_space<semaphore_mem>>) src(%dma_wait3A_811 : memref<1x49152xf32, #tpu.memory_space<hbm>>) dst(%arg8 : memref<1x49152xf32, #tpu.memory_space<vmem>>)
    } else {
    }
    %not3A_738 = arith.constant true
    %not3A_739 = arith.xori %eq3A_451, %not3A_738 : i1
    %and3A_740 = arith.andi %ne3A_332, %not3A_739 : i1
    %convert_element_type3A_741 = arith.extui %and3A_740 : i1 to i32
    %cond3A_742 = arith.constant 0 : i32
    %cond3A_743 = arith.cmpi ne, %convert_element_type3A_741, %cond3A_742 : i32
    scf.if %cond3A_743 {
      %dma_start3A_804 = arith.constant 0 : i32
      %dma_start3A_805 = tpu.memref_slice %arg2[%reduce_sum3A_140, %dma_start3A_804] : memref<128x49152xf32, #tpu.memory_space<hbm>> -> memref<1x49152xf32, #tpu.memory_space<hbm>>
      %dma_start3A_806 = arith.constant 0 : i32
      %dma_start3A_807 = tpu.memref_slice %arg2[%reduce_sum3A_140, %dma_start3A_806] : memref<128x49152xf32, #tpu.memory_space<hbm>> -> memref<1x49152xf32, #tpu.memory_space<hbm>>
      tpu.enqueue_dma source(%dma_start3A_807 : memref<1x49152xf32, #tpu.memory_space<hbm>>) target(%arg9 : memref<1x49152xf32, #tpu.memory_space<vmem>>) target_semaphore(%arg10 : memref<!tpu.dma_semaphore, #tpu.memory_space<semaphore_mem>>)
      %dma_wait3A_808 = arith.constant 0 : i32
      %dma_wait3A_809 = tpu.memref_slice %arg2[%reduce_sum3A_140, %dma_wait3A_808] : memref<128x49152xf32, #tpu.memory_space<hbm>> -> memref<1x49152xf32, #tpu.memory_space<hbm>>
      %dma_wait3A_810 = arith.constant 0 : i32
      %dma_wait3A_811 = tpu.memref_slice %arg2[%reduce_sum3A_140, %dma_wait3A_810] : memref<128x49152xf32, #tpu.memory_space<hbm>> -> memref<1x49152xf32, #tpu.memory_space<hbm>>
      tpu.wait_dma2 semaphore(%arg10 : memref<!tpu.dma_semaphore, #tpu.memory_space<semaphore_mem>>) src(%dma_wait3A_811 : memref<1x49152xf32, #tpu.memory_space<hbm>>) dst(%arg9 : memref<1x49152xf32, #tpu.memory_space<vmem>>)
    } else {
    }
    %convert_element_type3A_744 = arith.extui %eq3A_451 : i1 to i32
    %cond3A_745 = arith.constant 0 : i32
    %cond3A_746 = arith.cmpi ne, %convert_element_type3A_744, %cond3A_745 : i32
    scf.if %cond3A_746 {
      %dma_start3A_804 = arith.constant 0 : i32
      %dma_start3A_805 = tpu.memref_slice %arg5[%reduce_sum3A_300, %dma_start3A_804] : memref<512x49152xf32, #tpu.memory_space<hbm>> -> memref<1x49152xf32, #tpu.memory_space<hbm>>
      %dma_start3A_806 = arith.constant 0 : i32
      %dma_start3A_807 = tpu.memref_slice %arg5[%reduce_sum3A_300, %dma_start3A_806] : memref<512x49152xf32, #tpu.memory_space<hbm>> -> memref<1x49152xf32, #tpu.memory_space<hbm>>
      tpu.enqueue_dma source(%arg8 : memref<1x49152xf32, #tpu.memory_space<vmem>>) target(%dma_start3A_807 : memref<1x49152xf32, #tpu.memory_space<hbm>>) target_semaphore(%arg24 : memref<!tpu.dma_semaphore, #tpu.memory_space<semaphore_mem>>)
    } else {
    }
    %not3A_747 = arith.constant true
    %not3A_748 = arith.xori %eq3A_451, %not3A_747 : i1
    %convert_element_type3A_749 = arith.extui %not3A_748 : i1 to i32
    %cond3A_750 = arith.constant 0 : i32
    %cond3A_751 = arith.cmpi ne, %convert_element_type3A_749, %cond3A_750 : i32
    scf.if %cond3A_751 {
      %dma_start3A_804 = arith.constant 0 : i32
      %dma_start3A_805 = tpu.memref_slice %arg5[%reduce_sum3A_300, %dma_start3A_804] : memref<512x49152xf32, #tpu.memory_space<hbm>> -> memref<1x49152xf32, #tpu.memory_space<hbm>>
      %dma_start3A_806 = arith.constant 0 : i32
      %dma_start3A_807 = tpu.memref_slice %arg5[%reduce_sum3A_300, %dma_start3A_806] : memref<512x49152xf32, #tpu.memory_space<hbm>> -> memref<1x49152xf32, #tpu.memory_space<hbm>>
      tpu.enqueue_dma source(%arg9 : memref<1x49152xf32, #tpu.memory_space<vmem>>) target(%dma_start3A_807 : memref<1x49152xf32, #tpu.memory_space<hbm>>) target_semaphore(%arg24 : memref<!tpu.dma_semaphore, #tpu.memory_space<semaphore_mem>>)
    } else {
    }
    %dma_wait3A_752 = arith.constant 0 : i32
    %dma_wait3A_753 = tpu.memref_slice %arg5[%reduce_sum3A_290, %dma_wait3A_752] : memref<512x49152xf32, #tpu.memory_space<hbm>> -> memref<1x49152xf32, #tpu.memory_space<hbm>>
    %dma_wait3A_754 = arith.constant 0 : i32
    %dma_wait3A_755 = tpu.memref_slice %arg5[%reduce_sum3A_290, %dma_wait3A_754] : memref<512x49152xf32, #tpu.memory_space<hbm>> -> memref<1x49152xf32, #tpu.memory_space<hbm>>
    tpu.wait_dma2 semaphore(%arg23 : memref<!tpu.dma_semaphore, #tpu.memory_space<semaphore_mem>>) src(%arg8 : memref<1x49152xf32, #tpu.memory_space<vmem>>) dst(%dma_wait3A_755 : memref<1x49152xf32, #tpu.memory_space<hbm>>)
    %and3A_756 = arith.andi %ne3A_333, %eq3A_455 : i1
    %convert_element_type3A_757 = arith.extui %and3A_756 : i1 to i32
    %cond3A_758 = arith.constant 0 : i32
    %cond3A_759 = arith.cmpi ne, %convert_element_type3A_757, %cond3A_758 : i32
    scf.if %cond3A_759 {
      %dma_start3A_804 = arith.constant 0 : i32
      %dma_start3A_805 = tpu.memref_slice %arg2[%reduce_sum3A_150, %dma_start3A_804] : memref<128x49152xf32, #tpu.memory_space<hbm>> -> memref<1x49152xf32, #tpu.memory_space<hbm>>
      %dma_start3A_806 = arith.constant 0 : i32
      %dma_start3A_807 = tpu.memref_slice %arg2[%reduce_sum3A_150, %dma_start3A_806] : memref<128x49152xf32, #tpu.memory_space<hbm>> -> memref<1x49152xf32, #tpu.memory_space<hbm>>
      tpu.enqueue_dma source(%dma_start3A_807 : memref<1x49152xf32, #tpu.memory_space<hbm>>) target(%arg8 : memref<1x49152xf32, #tpu.memory_space<vmem>>) target_semaphore(%arg10 : memref<!tpu.dma_semaphore, #tpu.memory_space<semaphore_mem>>)
      %dma_wait3A_808 = arith.constant 0 : i32
      %dma_wait3A_809 = tpu.memref_slice %arg2[%reduce_sum3A_150, %dma_wait3A_808] : memref<128x49152xf32, #tpu.memory_space<hbm>> -> memref<1x49152xf32, #tpu.memory_space<hbm>>
      %dma_wait3A_810 = arith.constant 0 : i32
      %dma_wait3A_811 = tpu.memref_slice %arg2[%reduce_sum3A_150, %dma_wait3A_810] : memref<128x49152xf32, #tpu.memory_space<hbm>> -> memref<1x49152xf32, #tpu.memory_space<hbm>>
      tpu.wait_dma2 semaphore(%arg10 : memref<!tpu.dma_semaphore, #tpu.memory_space<semaphore_mem>>) src(%dma_wait3A_811 : memref<1x49152xf32, #tpu.memory_space<hbm>>) dst(%arg8 : memref<1x49152xf32, #tpu.memory_space<vmem>>)
    } else {
    }
    %not3A_760 = arith.constant true
    %not3A_761 = arith.xori %eq3A_455, %not3A_760 : i1
    %and3A_762 = arith.andi %ne3A_333, %not3A_761 : i1
    %convert_element_type3A_763 = arith.extui %and3A_762 : i1 to i32
    %cond3A_764 = arith.constant 0 : i32
    %cond3A_765 = arith.cmpi ne, %convert_element_type3A_763, %cond3A_764 : i32
    scf.if %cond3A_765 {
      %dma_start3A_804 = arith.constant 0 : i32
      %dma_start3A_805 = tpu.memref_slice %arg2[%reduce_sum3A_150, %dma_start3A_804] : memref<128x49152xf32, #tpu.memory_space<hbm>> -> memref<1x49152xf32, #tpu.memory_space<hbm>>
      %dma_start3A_806 = arith.constant 0 : i32
      %dma_start3A_807 = tpu.memref_slice %arg2[%reduce_sum3A_150, %dma_start3A_806] : memref<128x49152xf32, #tpu.memory_space<hbm>> -> memref<1x49152xf32, #tpu.memory_space<hbm>>
      tpu.enqueue_dma source(%dma_start3A_807 : memref<1x49152xf32, #tpu.memory_space<hbm>>) target(%arg9 : memref<1x49152xf32, #tpu.memory_space<vmem>>) target_semaphore(%arg10 : memref<!tpu.dma_semaphore, #tpu.memory_space<semaphore_mem>>)
      %dma_wait3A_808 = arith.constant 0 : i32
      %dma_wait3A_809 = tpu.memref_slice %arg2[%reduce_sum3A_150, %dma_wait3A_808] : memref<128x49152xf32, #tpu.memory_space<hbm>> -> memref<1x49152xf32, #tpu.memory_space<hbm>>
      %dma_wait3A_810 = arith.constant 0 : i32
      %dma_wait3A_811 = tpu.memref_slice %arg2[%reduce_sum3A_150, %dma_wait3A_810] : memref<128x49152xf32, #tpu.memory_space<hbm>> -> memref<1x49152xf32, #tpu.memory_space<hbm>>
      tpu.wait_dma2 semaphore(%arg10 : memref<!tpu.dma_semaphore, #tpu.memory_space<semaphore_mem>>) src(%dma_wait3A_811 : memref<1x49152xf32, #tpu.memory_space<hbm>>) dst(%arg9 : memref<1x49152xf32, #tpu.memory_space<vmem>>)
    } else {
    }
    %convert_element_type3A_766 = arith.extui %eq3A_455 : i1 to i32
    %cond3A_767 = arith.constant 0 : i32
    %cond3A_768 = arith.cmpi ne, %convert_element_type3A_766, %cond3A_767 : i32
    scf.if %cond3A_768 {
      %dma_start3A_804 = arith.constant 0 : i32
      %dma_start3A_805 = tpu.memref_slice %arg5[%reduce_sum3A_310, %dma_start3A_804] : memref<512x49152xf32, #tpu.memory_space<hbm>> -> memref<1x49152xf32, #tpu.memory_space<hbm>>
      %dma_start3A_806 = arith.constant 0 : i32
      %dma_start3A_807 = tpu.memref_slice %arg5[%reduce_sum3A_310, %dma_start3A_806] : memref<512x49152xf32, #tpu.memory_space<hbm>> -> memref<1x49152xf32, #tpu.memory_space<hbm>>
      tpu.enqueue_dma source(%arg8 : memref<1x49152xf32, #tpu.memory_space<vmem>>) target(%dma_start3A_807 : memref<1x49152xf32, #tpu.memory_space<hbm>>) target_semaphore(%arg25 : memref<!tpu.dma_semaphore, #tpu.memory_space<semaphore_mem>>)
    } else {
    }
    %not3A_769 = arith.constant true
    %not3A_770 = arith.xori %eq3A_455, %not3A_769 : i1
    %convert_element_type3A_771 = arith.extui %not3A_770 : i1 to i32
    %cond3A_772 = arith.constant 0 : i32
    %cond3A_773 = arith.cmpi ne, %convert_element_type3A_771, %cond3A_772 : i32
    scf.if %cond3A_773 {
      %dma_start3A_804 = arith.constant 0 : i32
      %dma_start3A_805 = tpu.memref_slice %arg5[%reduce_sum3A_310, %dma_start3A_804] : memref<512x49152xf32, #tpu.memory_space<hbm>> -> memref<1x49152xf32, #tpu.memory_space<hbm>>
      %dma_start3A_806 = arith.constant 0 : i32
      %dma_start3A_807 = tpu.memref_slice %arg5[%reduce_sum3A_310, %dma_start3A_806] : memref<512x49152xf32, #tpu.memory_space<hbm>> -> memref<1x49152xf32, #tpu.memory_space<hbm>>
      tpu.enqueue_dma source(%arg9 : memref<1x49152xf32, #tpu.memory_space<vmem>>) target(%dma_start3A_807 : memref<1x49152xf32, #tpu.memory_space<hbm>>) target_semaphore(%arg25 : memref<!tpu.dma_semaphore, #tpu.memory_space<semaphore_mem>>)
    } else {
    }
    %dma_wait3A_774 = arith.constant 0 : i32
    %dma_wait3A_775 = tpu.memref_slice %arg5[%reduce_sum3A_300, %dma_wait3A_774] : memref<512x49152xf32, #tpu.memory_space<hbm>> -> memref<1x49152xf32, #tpu.memory_space<hbm>>
    %dma_wait3A_776 = arith.constant 0 : i32
    %dma_wait3A_777 = tpu.memref_slice %arg5[%reduce_sum3A_300, %dma_wait3A_776] : memref<512x49152xf32, #tpu.memory_space<hbm>> -> memref<1x49152xf32, #tpu.memory_space<hbm>>
    tpu.wait_dma2 semaphore(%arg24 : memref<!tpu.dma_semaphore, #tpu.memory_space<semaphore_mem>>) src(%arg8 : memref<1x49152xf32, #tpu.memory_space<vmem>>) dst(%dma_wait3A_777 : memref<1x49152xf32, #tpu.memory_space<hbm>>)
    %and3A_778 = arith.andi %ne3A_334, %eq3A_459 : i1
    %convert_element_type3A_779 = arith.extui %and3A_778 : i1 to i32
    %cond3A_780 = arith.constant 0 : i32
    %cond3A_781 = arith.cmpi ne, %convert_element_type3A_779, %cond3A_780 : i32
    scf.if %cond3A_781 {
      %dma_start3A_804 = arith.constant 0 : i32
      %dma_start3A_805 = tpu.memref_slice %arg2[%reduce_sum3A_160, %dma_start3A_804] : memref<128x49152xf32, #tpu.memory_space<hbm>> -> memref<1x49152xf32, #tpu.memory_space<hbm>>
      %dma_start3A_806 = arith.constant 0 : i32
      %dma_start3A_807 = tpu.memref_slice %arg2[%reduce_sum3A_160, %dma_start3A_806] : memref<128x49152xf32, #tpu.memory_space<hbm>> -> memref<1x49152xf32, #tpu.memory_space<hbm>>
      tpu.enqueue_dma source(%dma_start3A_807 : memref<1x49152xf32, #tpu.memory_space<hbm>>) target(%arg8 : memref<1x49152xf32, #tpu.memory_space<vmem>>) target_semaphore(%arg10 : memref<!tpu.dma_semaphore, #tpu.memory_space<semaphore_mem>>)
      %dma_wait3A_808 = arith.constant 0 : i32
      %dma_wait3A_809 = tpu.memref_slice %arg2[%reduce_sum3A_160, %dma_wait3A_808] : memref<128x49152xf32, #tpu.memory_space<hbm>> -> memref<1x49152xf32, #tpu.memory_space<hbm>>
      %dma_wait3A_810 = arith.constant 0 : i32
      %dma_wait3A_811 = tpu.memref_slice %arg2[%reduce_sum3A_160, %dma_wait3A_810] : memref<128x49152xf32, #tpu.memory_space<hbm>> -> memref<1x49152xf32, #tpu.memory_space<hbm>>
      tpu.wait_dma2 semaphore(%arg10 : memref<!tpu.dma_semaphore, #tpu.memory_space<semaphore_mem>>) src(%dma_wait3A_811 : memref<1x49152xf32, #tpu.memory_space<hbm>>) dst(%arg8 : memref<1x49152xf32, #tpu.memory_space<vmem>>)
    } else {
    }
    %not3A_782 = arith.constant true
    %not3A_783 = arith.xori %eq3A_459, %not3A_782 : i1
    %and3A_784 = arith.andi %ne3A_334, %not3A_783 : i1
    %convert_element_type3A_785 = arith.extui %and3A_784 : i1 to i32
    %cond3A_786 = arith.constant 0 : i32
    %cond3A_787 = arith.cmpi ne, %convert_element_type3A_785, %cond3A_786 : i32
    scf.if %cond3A_787 {
      %dma_start3A_804 = arith.constant 0 : i32
      %dma_start3A_805 = tpu.memref_slice %arg2[%reduce_sum3A_160, %dma_start3A_804] : memref<128x49152xf32, #tpu.memory_space<hbm>> -> memref<1x49152xf32, #tpu.memory_space<hbm>>
      %dma_start3A_806 = arith.constant 0 : i32
      %dma_start3A_807 = tpu.memref_slice %arg2[%reduce_sum3A_160, %dma_start3A_806] : memref<128x49152xf32, #tpu.memory_space<hbm>> -> memref<1x49152xf32, #tpu.memory_space<hbm>>
      tpu.enqueue_dma source(%dma_start3A_807 : memref<1x49152xf32, #tpu.memory_space<hbm>>) target(%arg9 : memref<1x49152xf32, #tpu.memory_space<vmem>>) target_semaphore(%arg10 : memref<!tpu.dma_semaphore, #tpu.memory_space<semaphore_mem>>)
      %dma_wait3A_808 = arith.constant 0 : i32
      %dma_wait3A_809 = tpu.memref_slice %arg2[%reduce_sum3A_160, %dma_wait3A_808] : memref<128x49152xf32, #tpu.memory_space<hbm>> -> memref<1x49152xf32, #tpu.memory_space<hbm>>
      %dma_wait3A_810 = arith.constant 0 : i32
      %dma_wait3A_811 = tpu.memref_slice %arg2[%reduce_sum3A_160, %dma_wait3A_810] : memref<128x49152xf32, #tpu.memory_space<hbm>> -> memref<1x49152xf32, #tpu.memory_space<hbm>>
      tpu.wait_dma2 semaphore(%arg10 : memref<!tpu.dma_semaphore, #tpu.memory_space<semaphore_mem>>) src(%dma_wait3A_811 : memref<1x49152xf32, #tpu.memory_space<hbm>>) dst(%arg9 : memref<1x49152xf32, #tpu.memory_space<vmem>>)
    } else {
    }
    %convert_element_type3A_788 = arith.extui %eq3A_459 : i1 to i32
    %cond3A_789 = arith.constant 0 : i32
    %cond3A_790 = arith.cmpi ne, %convert_element_type3A_788, %cond3A_789 : i32
    scf.if %cond3A_790 {
      %dma_start3A_804 = arith.constant 0 : i32
      %dma_start3A_805 = tpu.memref_slice %arg5[%reduce_sum3A_320, %dma_start3A_804] : memref<512x49152xf32, #tpu.memory_space<hbm>> -> memref<1x49152xf32, #tpu.memory_space<hbm>>
      %dma_start3A_806 = arith.constant 0 : i32
      %dma_start3A_807 = tpu.memref_slice %arg5[%reduce_sum3A_320, %dma_start3A_806] : memref<512x49152xf32, #tpu.memory_space<hbm>> -> memref<1x49152xf32, #tpu.memory_space<hbm>>
      tpu.enqueue_dma source(%arg8 : memref<1x49152xf32, #tpu.memory_space<vmem>>) target(%dma_start3A_807 : memref<1x49152xf32, #tpu.memory_space<hbm>>) target_semaphore(%arg26 : memref<!tpu.dma_semaphore, #tpu.memory_space<semaphore_mem>>)
    } else {
    }
    %not3A_791 = arith.constant true
    %not3A_792 = arith.xori %eq3A_459, %not3A_791 : i1
    %convert_element_type3A_793 = arith.extui %not3A_792 : i1 to i32
    %cond3A_794 = arith.constant 0 : i32
    %cond3A_795 = arith.cmpi ne, %convert_element_type3A_793, %cond3A_794 : i32
    scf.if %cond3A_795 {
      %dma_start3A_804 = arith.constant 0 : i32
      %dma_start3A_805 = tpu.memref_slice %arg5[%reduce_sum3A_320, %dma_start3A_804] : memref<512x49152xf32, #tpu.memory_space<hbm>> -> memref<1x49152xf32, #tpu.memory_space<hbm>>
      %dma_start3A_806 = arith.constant 0 : i32
      %dma_start3A_807 = tpu.memref_slice %arg5[%reduce_sum3A_320, %dma_start3A_806] : memref<512x49152xf32, #tpu.memory_space<hbm>> -> memref<1x49152xf32, #tpu.memory_space<hbm>>
      tpu.enqueue_dma source(%arg9 : memref<1x49152xf32, #tpu.memory_space<vmem>>) target(%dma_start3A_807 : memref<1x49152xf32, #tpu.memory_space<hbm>>) target_semaphore(%arg26 : memref<!tpu.dma_semaphore, #tpu.memory_space<semaphore_mem>>)
    } else {
    }
    %dma_wait3A_796 = arith.constant 0 : i32
    %dma_wait3A_797 = tpu.memref_slice %arg5[%reduce_sum3A_310, %dma_wait3A_796] : memref<512x49152xf32, #tpu.memory_space<hbm>> -> memref<1x49152xf32, #tpu.memory_space<hbm>>
    %dma_wait3A_798 = arith.constant 0 : i32
    %dma_wait3A_799 = tpu.memref_slice %arg5[%reduce_sum3A_310, %dma_wait3A_798] : memref<512x49152xf32, #tpu.memory_space<hbm>> -> memref<1x49152xf32, #tpu.memory_space<hbm>>
    tpu.wait_dma2 semaphore(%arg25 : memref<!tpu.dma_semaphore, #tpu.memory_space<semaphore_mem>>) src(%arg8 : memref<1x49152xf32, #tpu.memory_space<vmem>>) dst(%dma_wait3A_799 : memref<1x49152xf32, #tpu.memory_space<hbm>>)
    %dma_wait3A_800 = arith.constant 0 : i32
    %dma_wait3A_801 = tpu.memref_slice %arg5[%reduce_sum3A_320, %dma_wait3A_800] : memref<512x49152xf32, #tpu.memory_space<hbm>> -> memref<1x49152xf32, #tpu.memory_space<hbm>>
    %dma_wait3A_802 = arith.constant 0 : i32
    %dma_wait3A_803 = tpu.memref_slice %arg5[%reduce_sum3A_320, %dma_wait3A_802] : memref<512x49152xf32, #tpu.memory_space<hbm>> -> memref<1x49152xf32, #tpu.memory_space<hbm>>
    tpu.wait_dma2 semaphore(%arg26 : memref<!tpu.dma_semaphore, #tpu.memory_space<semaphore_mem>>) src(%arg8 : memref<1x49152xf32, #tpu.memory_space<vmem>>) dst(%dma_wait3A_803 : memref<1x49152xf32, #tpu.memory_space<hbm>>)
    return
  }
}

</mosaic_0001>

<sc_bundles>
// kernel: _sc_gather.3.cloned.1.call-start
scs
__scs_entry_jumppad:
0x0: {  	(pc) =	sbr.rel $0x88, $3  }
0x1: {  	(tag) =	ssettag $0x0;
	lr =	simm.s32 $0x1  }
0x2: {  	[smem:$0x3F9E] =	sst lr;
	_ =	strace $0xD0000000  }
0x3: {  	_ = 	snop  }
0x4: {  	_ = 	snop  }
0x5: {  	_ = 	snop  }
0x6: {  	_ = 	snop  }
0x7: {  	_ = 	snop  }
__scs_overlays_trampoline_lowered:
0x8: {  	[smem:$0x3FAD] =	sst s0  }
0x9: {  	[smem:$0x3FAE] =	sst s1  }
0xa: {  	[smem:$0x3FAF] =	sst s2  }
0xb: {  	[smem:$0x3FB0] =	sst s3  }
0xc: {  	[smem:$0x3FB1] =	sst s4  }
0xd: {  	[smem:$0x3FB2] =	sst s5  }
0xe: {  	[smem:$0x3FB3] =	sst s6  }
0xf: {  	[smem:$0x3FB4] =	sst s7  }
0x10: {  	[smem:$0x3FB5] =	sst s8  }
0x11: {  	[smem:$0x3FB6] =	sst s9;
	s0 =	simm.s32 @!p0 $0x0  }
0x12: {  	s1 =	sld [smem:$0x3F9C];
	s0 =	simm.s32 @p0 $0x1  }
0x13: {  	[smem:$0x3FB7] =	sst s0;
	s0 =	simm.s32 @!p1 $0x0  }
0x14: {  	s2 =	sld [smem:$0x3F9B];
	s0 =	simm.s32 @p1 $0x1  }
0x15: {  	[smem:$0x3FB8] =	sst s0;
	s0 =	simm.s32 @!p2 $0x0  }
0x16: {  	s3 =	sld [smem:$0x3FDB];
	s0 =	simm.s32 @p2 $0x1  }
0x17: {  	s4 =	simm.s32 $0x1BF5;
	[smem:$0x3FBA] =	sst s0  }
0x18: {  	s0 =	sld [smem:$0x3F9D];
	_ =	swait.ge [sflag:s4], $0x0  }
0x19: {  	s7 =	sld [smem:$0x3F9E]  }
0x1a: {  	s8 =	sadd.s32 $0xFFFFE003, lr  }
0x1b: {  	s9 =	sadd.s32 $0xFFFFFEF7, lr;
	s5 =	simm.s32 $0xFFFFFFFF;
	p2 =	slt.u32 s8, $0xFFFFF086  }
0x1c: {  	p1 =	slt.u32 s9, $0xF7A;
	s5 =	simm.s32 @!p2 $0x0  }
0x1d: {  	s5 =	simm.s32 @p1 $0x1;
	p0 =	seq.s32 s7, s2  }
0x1e: {  	s7 =	smul.u32 @!p0 $0xF7A, s2;
	p2 =	seq.s32 @!p0 s5, $0x0  }
0x1f: {  	s9 =	smul.u32 $0xF7A, s1;
	s8 =	simm.s32 @!p0 $0x1BF5;
	p2 =	por !p2, p0  }
0x20: {  	[sflag:s8] =	ssyncset.s32 @!p0 $0xFFFFF086;
	s6 =	sadd.s32 @!p0 s3, s7;
	s7 =	simm.s32 @!p0 $0x108  }
0x21: {  	s3 =	sadd.s32 s3, s9;
	s6 =	sadd.s32 @!p0 $0x88, s6;
	s7 =	simm.s32 @p2 $0x1082  }
0x22: {  	[simem:s7], [sflag:s8] =	dma.local @!p0 [hbm:s6], $0xF7A  }
0x23: {  	s9 =	sor.u32 $0xD0000000, s2;
	s6 =	simm.s32 $0x108;
	_ =	swait.ge @!p0 [sflag:s8], $0x0  }
0x24: {  	s3 =	sadd.s32 $0x88, s3;
	s6 =	simm.s32 @!p1 $0x1082;
	[sflag:s4] =	ssyncset.s32 $0xFFFFF086  }
0x25: {  	[simem:s6], [sflag:s4] =	dma.local [hbm:s3], $0xF7A  }
0x26: {  	[smem:$0x3F9E] =	sst s1;
	(tag) =	ssettag s2;
	_ =	strace s9  }
0x27: {  	s1 =	sld [smem:$0x3FAE]  }
0x28: {  	s2 =	sld [smem:$0x3FAF]  }
0x29: {  	s4 =	sld [smem:$0x3FB1]  }
0x2a: {  	p0 =	seq.s32 s5, $0x0;
	s5 =	sld [smem:$0x3FB2]  }
0x2b: {  	s6 =	sld [smem:$0x3FB3]  }
0x2c: {  	s7 =	sld [smem:$0x3FB4]  }
0x2d: {  	s3 =	simm.s32 $0x108;
	s8 =	sld [smem:$0x3FB5]  }
0x2e: {  	s3 =	simm.s32 @!p0 $0x1082;
	s9 =	sld [smem:$0x3FB6]  }
0x2f: {  	lr =	sadd.s32 s0, s3;
	s0 =	sld [smem:$0x3FAD]  }
0x30: {  	s3 =	sld [smem:$0x3FB0]  }
0x31: {  	[smem:$0x3FB9] =	sst s10  }
0x32: {  	s10 =	sld [smem:$0x3FB7];
	_ =	sdelay $0x3  }
0x33: {  	p0 =	seq.s32 s10, $0x1;
	s10 =	sld [smem:$0x3FB9];
	_ =	sdelay $0x3  }
0x34: {  	[smem:$0x3FB9] =	sst s10  }
0x35: {  	s10 =	sld [smem:$0x3FB8];
	_ =	sdelay $0x3  }
0x36: {  	p1 =	seq.s32 s10, $0x1;
	s10 =	sld [smem:$0x3FB9];
	_ =	sdelay $0x3  }
0x37: {  	[smem:$0x3FB9] =	sst s10  }
0x38: {  	s10 =	sld [smem:$0x3FBA]  }
0x39: {  	_ = 	snop;
	(pc) =	sbr.ind lr, $3  }
0x3a: {  	_ = 	snop  }
0x3b: {  	_ = 	snop  }
0x3c: {  	p2 =	seq.s32 s10, $0x1;
	s10 =	sld [smem:$0x3FB9]  }
0x3d: {  	_ =	shalt  }
0x3e: {  	_ =	shalt  }
0x3f: {  	_ =	shalt  }
0x40: {  	_ =	shalt  }
0x41: {  	_ =	shalt  }
0x42: {  	_ =	shalt  }
0x43: {  	_ =	shalt  }
0x44: {  	_ =	shalt  }
0x45: {  	_ =	shalt  }
0x46: {  	_ =	shalt  }
0x47: {  	_ =	shalt  }
0x48: {  	_ =	shalt  }
0x49: {  	_ =	shalt  }
0x4a: {  	_ =	shalt  }
0x4b: {  	_ =	shalt  }
0x4c: {  	_ =	shalt  }
0x4d: {  	_ =	shalt  }
0x4e: {  	_ =	shalt  }
0x4f: {  	_ =	shalt  }
0x50: {  	_ =	shalt  }
0x51: {  	_ =	shalt  }
0x52: {  	_ =	shalt  }
0x53: {  	_ =	shalt  }
0x54: {  	_ =	shalt  }
0x55: {  	_ =	shalt  }
0x56: {  	_ =	shalt  }
0x57: {  	_ =	shalt  }
0x58: {  	_ =	shalt  }
0x59: {  	_ =	shalt  }
0x5a: {  	_ =	shalt  }
0x5b: {  	_ =	shalt  }
0x5c: {  	_ =	shalt  }
0x5d: {  	_ =	shalt  }
0x5e: {  	_ =	shalt  }
0x5f: {  	_ =	shalt  }
0x60: {  	_ =	shalt  }
0x61: {  	_ =	shalt  }
0x62: {  	_ =	shalt  }
0x63: {  	_ =	shalt  }
0x64: {  	_ =	shalt  }
0x65: {  	_ =	shalt  }
0x66: {  	_ =	shalt  }
0x67: {  	_ =	shalt  }
0x68: {  	_ =	shalt  }
0x69: {  	_ =	shalt  }
0x6a: {  	_ =	shalt  }
0x6b: {  	_ =	shalt  }
0x6c: {  	_ =	shalt  }
0x6d: {  	_ =	shalt  }
0x6e: {  	_ =	shalt  }
0x6f: {  	_ =	shalt  }
0x70: {  	_ =	shalt  }
0x71: {  	_ =	shalt  }
0x72: {  	_ =	shalt  }
0x73: {  	_ =	shalt  }
0x74: {  	_ =	shalt  }
0x75: {  	_ =	shalt  }
0x76: {  	_ =	shalt  }
0x77: {  	_ =	shalt  }
0x78: {  	_ =	shalt  }
0x79: {  	_ =	shalt  }
0x7a: {  	_ =	shalt  }
0x7b: {  	_ =	shalt  }
0x7c: {  	_ =	shalt  }
0x7d: {  	_ =	shalt  }
0x7e: {  	_ =	shalt  }
0x7f: {  	_ =	shalt  }
0x80: {  	_ =	shalt  }
0x81: {  	_ =	shalt  }
0x82: {  	_ =	shalt  }
0x83: {  	_ =	shalt  }
0x84: {  	_ =	shalt  }
0x85: {  	_ =	shalt  }
0x86: {  	_ =	shalt  }
0x87: {  	_ =	shalt  }
.Lfunc_end0:
.L_simem_size_0:
called_computation_lowered:
.L_overlay_start_0:
0x88: {  	s2 =	sld [smem:$0x3FD9]  }
0x89: {  	s3 =	sld [smem:$0x3FFE];
	_ =	sdelay $0x1  }
0x8a: {  	s1 =	srdreg.scid  }
0x8b: {  	s0 =	sand.u32 $0x1, s1  }
0x8c: {  	s18 =	sshll.u32 s0, $0xA;
	s2 =	sadd.s32 s3, s2  }
0x8d: {  	s2 =	sadd.s32 s2, s18  }
0x8e: {  	[smem:$0x3FC5] =	sst s2  }
0x8f: {  	_ = 	snop  }
0x90: {  	s2 =	sld [smem:$0x3FC9]  }
0x91: {  	s19 =	sld [smem:$0x3FC8]  }
0x92: {  	s4 =	sld [smem:$0x3FC7]  }
0x93: {  	s5 =	sld [smem:$0x3FD0];
	(tm) =	ssettm $0x1  }
0x94: {  	s6 =	sld [smem:$0x3FFB];
	_ =	sdelay $0x3  }
0x95: {  	_ =	strace s6  }
0x96: {  	s6 =	sld [smem:$0x3FFC];
	_ =	sdelay $0x3  }
0x97: {  	_ =	strace s6  }
0x98: {  	s6 =	sld [smem:$0x3FFD];
	_ =	sdelay $0x3  }
0x99: {  	_ =	strace s6  }
0x9a: {  	_ =	strace $0x8FFFFFFF  }
0x9b: {  	s20 =	sld [smem:$0x3FDB];
	_ =	sdelay $0x1  }
0x9c: {  	s7 =	simm.s32 $_scs_section_size  }
0x9d: {  	s8 =	simm.s32 $_size__tile_overlayer_lowered;
	s9 =	simm.s32 $_tile_overlayer_lowered  }
0x9e: {  	s23 =	simm.s32 $0x1BFF;
	s22 =	sshll.u32 s9, $0x1;
	s6 =	sadd.s32 s7, s20  }
0x9f: {  	s10 =	simm.s32 $0x0;
	s21 =	sshll.u32 s8, $0x1;
	s8 =	sadd.s32 s22, s6  }
0xa0: {  	[timem:s10], [sflag:s23] =	dma.local [hbm:s8], s21  }
0xa1: {  	_ =	swait.ge [sflag:s23], s21  }
0xa2: {  	s7 =	ssub.s32 $0x0, s21;
	[sflag:s23] =	ssyncset.done $0x0  }
0xa3: {  	[sflag:s23] =	ssyncadd.s32 s7;
	_ =	sdelay $0x1  }
0xa4: {  	s24 =	simm.s32 $0x1B8B  }
0xa5: {  	_ =	swait.ge [sflag:s24], $0x1  }
0xa6: {  	[sflag:s24] =	ssyncset.done $0x0  }
0xa7: {  	s25 =	simm.s32 $0x1B8E;
	[sflag:s24] =	ssyncadd.s32 $0xFFFFFFFF  }
0xa8: {  	s26 =	simm.s32 $execute0_lowered;
	[smem:$0x3FD2] =	sst s25  }
0xa9: {  	s7 =	sshll.u32 s26, $0x1;
	_ =	strace $0x80000046;
	[dreg:$0x1] =	wrdreg $0xFFFFFFFF  }
0xaa: {  	s28 =	simm.s32 $_size_execute0_lowered;
	s6 =	sadd.s32 s6, s7;
	[dreg:$0x0] =	wrdreg $0x0  }
0xab: {  	s7 =	sshll.u32 s28, $0x1;
	[dreg:$0x2] =	wrdreg s6  }
0xac: {  	[dreg:$0x3] =	wrdreg s7  }
0xad: {  	[dreg:$0x4] =	wrdreg $0xC0  }
0xae: {  	_ =	task [dreg:s10], $0x5FFFF  }
0xaf: {  	[dreg:$0x1] =	wrdreg $0xFFFFFFFF  }
0xb0: {  	[dreg:$0x0] =	wrdreg $0x60  }
0xb1: {  	[dreg:$0x2] =	wrdreg s2  }
0xb2: {  	[dreg:$0x3] =	wrdreg s19  }
0xb3: {  	[dreg:$0x4] =	wrdreg s4  }
0xb4: {  	[dreg:$0x5] =	wrdreg s5  }
0xb5: {  	[dreg:$0x6] =	wrdreg $0x9  }
0xb6: {  	_ =	task.clear_ibuf [dreg:s10], $0x7FFFF;
	_ =	strace $0x90000046  }
0xb7: {  	s29 =	simm.s32 $0x9;
	_ =	strace $0x80000048  }
0xb8: {  	_ =	swait.ge [sflag:s29], $0x1  }
0xb9: {  	[sflag:s29] =	ssyncadd.s32 $0xFFFFFFFF  }
0xba: {  	_ =	strace $0x90000048  }
0xbb: {  	_ =	sfence  }
0xbc: {  	s30 =	sld [smem:$0x0];
	_ =	sdelay $0x2  }
0xbd: {  	s31 =	sshll.u32 s1, $0xD;
	s1 =	sshrl.u32 s1, $0x2  }
0xbe: {  	s3 =	sand.u32 $0x4000, s31;
	s1 =	sadd.s32 s1, s30  }
0xbf: {  	s0 =	sor.u32 s3, s0;
	s1 =	sshll.u32 s1, $0x11  }
0xc0: {  	s0 =	sor.u32 s1, s0  }
0xc1: {  	s0 =	sadd.s32 $0x8F2B, s0  }
0xc2: {  	[sflag:s0] =	ssyncadd.remote.s32 $0x1  }
0xc3: {  	_ =	sfence.sel $0xFFFF  }
0xc4: {  	[dreg:$0x0] =	wrdreg $0xFFFFFFFF;
	(pc) =	sbr.abs _section_cstart, $3  }
0xc5: {  	[dreg:$0x1] =	wrdreg $0xFFFFFFFF  }
0xc6: {  	_ =	task.clear_ibuf [dreg:s10], $0x2FFFF;
	_ =	strace $0x9FFFFFFF  }
0xc7: {  	(tm) =	ssettm $0x7FFFFFFF  }
tec
execute0_lowered:
.L_overlay_start_1:
0x0: {  	(tag) =	ssettag $0x1  }
0x1: {  	s1 =	rddreg [dreg:$0x0]  }
0x2: {  	s0 =	rddreg [dreg:$0x1]  }
0x3: {  	s2 =	rddreg [dreg:$0x2]  }
0x4: {  	s29 =	rddreg [dreg:$0x3]  }
0x5: {  	s4 =	srdreg.scid;
	s3 =	stileid.u32  }
0x6: {  	s7 =	simm.s32 $0x0;
	vm0 =	vmmov $0x1;
	s31 =	simm.s32 $0xC100;
	s4 =	sand.u32 $0x1, s4  }
0x7: {  	vm1 =	vcmask $0x308;
	vm2 =	vcmask $0x70C;
	vm3 =	vcmask $0xB10;
	s5 =	sshll.u32 s3, $0x2;
	[smem:$0x7FF] =	sst s7;
	s6 =	sshll.u32 s4, $0x1  }
0x8: {  	vm4 =	vcmask $0xF14;
	vm5 =	vcmask $0x1318;
	vm6 =	vcmask $0x171C;
	_ =	strace $0x80000047;
	s4 =	ssub.s32 $0x2, s4;
	s5 =	sor.u32 s6, s5  }
0x9: {  	vm7 =	vcmask $0x1B20;
	vm8 =	vcmask $0x1F24;
	vm9 =	vcmask $0x2328;
	[dreg:$0x7] =	wrdreg s31;
	s26 =	sshrl.u32 s4, $0x1;
	s0 =	sadd.s32 s0, s5  }
0xa: {  	vm10 =	vcmask $0x272C;
	vm11 =	vcmask $0x2B30;
	vm12 =	vcmask $0x2F34;
	s28 =	sadd.s32 s2, s5;
	s30 =	ssub.s32 s4, s26;
	[dreg:$0x5] =	wrdreg s0  }
0xb: {  	vm13 =	vcmask $0x3338;
	vm14 =	vcmask $0x373C;
	vm15 =	vmmov $0x7fff;
	s13 =	simm.s32 $0x80;
	[dreg:$0x6] =	wrdreg s28;
	s2 =	smax.u32 s30, $0x1  }
.LBB2_1:
0xc: {  	[dreg:$0x8] =	wrdreg s2  }
0xd: {  	s0 =	rddreg [dreg:$0x5];
	s21 =	simm.s32 $0x0;
	s3 =	simm.s32 $0x12  }
0xe: {  	[tilespmem:s21], [sflag:$0x12] =	stream.linear.gather [hbm4b:s0+s21], $0x10, $0x38;
	[tilespmem:$0x18100] =	vst v63  }
0xf: {  	_ =	swait.ge [sflag:s3], $0x10  }
0x10: {  	[sflag:s3] =	ssyncset.done $0x0  }
0x11: {  	s4 =	simm.s32 $0x80;
	s22 =	rddreg [dreg:$0x6];
	[sflag:s3] =	ssyncadd.s32 $0xFFFFFFF0  }
0x12: {  	[tilespmem:s4], [sflag:$0x12] =	stream.linear.gather [hbm4b:s22+s21], $0x10, $0x38;
	[tilespmem:$0x18100] =	vst v63  }
0x13: {  	_ =	swait.ge [sflag:s3], $0x10  }
0x14: {  	[sflag:s3] =	ssyncset.done $0x0  }
0x15: {  	[sflag:s3] =	ssyncadd.s32 $0xFFFFFFF0  }
0x16: {  	v1 =	vld [tilespmem:$0x0];
	_ =	sdelay $0x4  }
0x17: {  	v0 =	vnsel vm0, $0x0, v1  }
0x18: {  	v5 =	vsel vm1, $0x0, v1;
	(xrf0) =	vadd.scan.msk.s32 $0xffff, v0  }
0x19: {  	v6 =	vsel vm2, $0x0, v1;
	(xrf0) =	vadd.scan.msk.s32 $0xffff, v5  }
0x1a: {  	v7 =	vsel vm3, $0x0, v1;
	(xrf0) =	vadd.scan.msk.s32 $0xffff, v6  }
0x1b: {  	v8 =	vsel vm4, $0x0, v1;
	(xrf0) =	vadd.scan.msk.s32 $0xffff, v7  }
0x1c: {  	v9 =	vsel vm5, $0x0, v1;
	(xrf0) =	vadd.scan.msk.s32 $0xffff, v8  }
0x1d: {  	v10 =	vsel vm6, $0x0, v1;
	(xrf0) =	vadd.scan.msk.s32 $0xffff, v9  }
0x1e: {  	v11 =	vsel vm7, $0x0, v1;
	v2, _, _ =	vpop (xrf0);
	(xrf0) =	vadd.scan.msk.s32 $0xffff, v10  }
0x1f: {  	v13 =	vsel vm8, $0x0, v1;
	(v2sf) =	vpush v2, $0xF;
	v12, _, _ =	vpop (xrf0);
	(xrf0) =	vadd.scan.msk.s32 $0xffff, v11  }
0x20: {  	v15 =	vsel vm9, $0x0, v1;
	(v2sf) =	vpush v12, $0xF;
	v14, _, _ =	vpop (xrf0);
	(xrf0) =	vadd.scan.msk.s32 $0xffff, v13  }
0x21: {  	v3 =	vsel vm10, $0x0, v1;
	(v2sf) =	vpush v14, $0xF;
	v16, _, _ =	vpop (xrf0);
	(xrf0) =	vadd.scan.msk.s32 $0xffff, v15  }
0x22: {  	v17 =	vld [tilespmem:$0x80];
	v19 =	vsel vm11, $0x0, v1;
	(v2sf) =	vpush v16, $0xF;
	v18, _, _ =	vpop (xrf0);
	(xrf0) =	vadd.scan.msk.s32 $0xffff, v3  }
0x23: {  	v21 =	vsel vm12, $0x0, v1;
	(v2sf) =	vpush v18, $0xF;
	v20, _, _ =	vpop (xrf0);
	(xrf0) =	vadd.scan.msk.s32 $0xffff, v19  }
0x24: {  	v23 =	vsel vm13, $0x0, v1;
	(v2sf) =	vpush v20, $0xF;
	v22, _, _ =	vpop (xrf0);
	(xrf0) =	vadd.scan.msk.s32 $0xffff, v21  }
0x25: {  	v25 =	vsel vm14, $0x0, v1;
	(v2sf) =	vpush v22, $0xF;
	v24, _, _ =	vpop (xrf0);
	(xrf0) =	vadd.scan.msk.s32 $0xffff, v23  }
0x26: {  	v1 =	vsel vm15, $0x0, v1;
	(v2sf) =	vpush v24, $0xF;
	v26, _, _ =	vpop (xrf0);
	(xrf0) =	vadd.scan.msk.s32 $0xffff, v25  }
0x27: {  	v28 =	vsel vm1, $0x0, v17;
	(v2sf) =	vpush v26, $0xF;
	v27, _, _ =	vpop (xrf0);
	(xrf0) =	vadd.scan.msk.s32 $0xffff, v1  }
0x28: {  	v30 =	vsel vm2, $0x0, v17;
	(v2sf) =	vpush v27, $0xF;
	v29, _, _ =	vpop (xrf0);
	(xrf0) =	vadd.scan.msk.s32 $0xffff, v28  }
0x29: {  	v32 =	vsel vm3, $0x0, v17;
	(v2sf) =	vpush v29, $0xF;
	v31, _, _ =	vpop (xrf0);
	(xrf0) =	vadd.scan.msk.s32 $0xffff, v30  }
0x2a: {  	v34 =	vsel vm4, $0x0, v17;
	(v2sf) =	vpush v31, $0xF;
	v33, _, _ =	vpop (xrf0);
	(xrf0) =	vadd.scan.msk.s32 $0xffff, v32  }
0x2b: {  	v36 =	vsel vm5, $0x0, v17;
	(v2sf) =	vpush v33, $0xF;
	v35, _, _ =	vpop (xrf0);
	(xrf0) =	vadd.scan.msk.s32 $0xffff, v34  }
0x2c: {  	v38 =	vsel vm6, $0x0, v17;
	(v2sf) =	vpush v35, $0xF;
	v37, _, _ =	vpop (xrf0);
	(xrf0) =	vadd.scan.msk.s32 $0xffff, v36  }
0x2d: {  	v40 =	vsel vm7, $0x0, v17;
	(v2sf) =	vpush v37, $0xF;
	v39, _, _ =	vpop (xrf0);
	(xrf0) =	vadd.scan.msk.s32 $0xffff, v38  }
0x2e: {  	v42 =	vsel vm8, $0x0, v17;
	s5 =	spop (v2sf);
	(v2sf) =	vpush v39, $0xF;
	v41, _, _ =	vpop (xrf0);
	(xrf0) =	vadd.scan.msk.s32 $0xffff, v40  }
0x2f: {  	v44 =	vsel vm9, $0x0, v17;
	s6 =	spop (v2sf);
	(v2sf) =	vpush v41, $0xF;
	v43, _, _ =	vpop (xrf0);
	(xrf0) =	vadd.scan.msk.s32 $0xffff, v42  }
0x30: {  	s9 =	spop (v2sf);
	v45, _, _ =	vpop (xrf0);
	(xrf0) =	vadd.scan.msk.s32 $0xffff, v44  }
0x31: {  	v47 =	vsel vm10, $0x0, v17;
	(v2sf) =	vpush v43, $0xF;
	s25 =	spop (v2sf);
	v46, _, _ =	vpop (xrf0)  }
0x32: {  	v49 =	vsel vm11, $0x0, v17;
	(v2sf) =	vpush v45, $0xF;
	(xrf0) =	vadd.scan.msk.s32 $0xffff, v47;
	s24 =	spop (v2sf);
	v48, _, _ =	vpop (xrf0)  }
0x33: {  	v51 =	vsel vm12, $0x0, v17;
	(v2sf) =	vpush v46, $0xF;
	(xrf0) =	vadd.scan.msk.s32 $0xffff, v49;
	s22 =	spop (v2sf);
	v50, _, _ =	vpop (xrf0)  }
0x34: {  	v53 =	vsel vm13, $0x0, v17;
	(v2sf) =	vpush v48, $0xF;
	(xrf0) =	vadd.scan.msk.s32 $0xffff, v51;
	s20 =	spop (v2sf);
	v52, _, _ =	vpop (xrf0)  }
0x35: {  	v55 =	vsel vm14, $0x0, v17;
	(v2sf) =	vpush v50, $0xF;
	(xrf0) =	vadd.scan.msk.s32 $0xffff, v53;
	s18 =	spop (v2sf);
	v54, _, _ =	vpop (xrf0)  }
0x36: {  	v57 =	vsel vm15, $0x0, v17;
	(v2sf) =	vpush v52, $0xF;
	s16 =	spop (v2sf);
	v56, _, _ =	vpop (xrf0);
	(xrf0) =	vadd.scan.msk.s32 $0xffff, v55  }
0x37: {  	(v2sf) =	vpush v54, $0xF;
	s14 =	spop (v2sf);
	(xrf0) =	vadd.scan.msk.s32 $0xffff, v57  }
0x38: {  	(v2sf) =	vpush v56, $0xF;
	v58, _, _ =	vpop (xrf0);
	s12 =	spop (v2sf)  }
0x39: {  	s28 =	sshrl.u32 s5, $0x3;
	v59, _, _ =	vpop (xrf0);
	(v2sf) =	vpush v58, $0xF;
	s8 =	spop (v2sf)  }
0x3a: {  	s3 =	sshll.u32 s5, $0x7;
	s2 =	smul.u32 $0x60000, s28;
	v60, _, _ =	vpop (xrf0);
	(v2sf) =	vpush v59, $0xF;
	s10 =	spop (v2sf)  }
0x3b: {  	s4 =	sand.u32 $0x380, s3;
	v61, _, _ =	vpop (xrf0);
	(v2sf) =	vpush v60, $0xF;
	s11 =	spop (v2sf)  }
0x3c: {  	s15 =	simm.s32 $0x400;
	s2 =	sor.u32 s4, s2;
	(v2sf) =	vpush v61, $0xF;
	v62, _, _ =	vpop (xrf0);
	s23 =	spop (v2sf)  }
0x3d: {  	s0 =	simm.s32 $0x80;
	s2 =	sshrl.u32 s2, $0x3;
	s26 =	spop (v2sf);
	(v2sf) =	vpush v62, $0xF;
	v63, _, _ =	vpop (xrf0)  }
0x3e: {  	s28 =	simm.s32 $0x100;
	s2 =	sadd.s32 s1, s2;
	s31 =	spop (v2sf);
	(v2sf) =	vpush v63, $0xF  }
0x3f: {  	[tilespmem:s28], [sflag:$0x1] =	stream.strided.gather [hbm4b:s2+s0], $0xC000, s15, s0, $0x38;
	[tilespmem:$0x18100] =	vst v63  }
0x40: {  	s30 =	spop (v2sf)  }
0x41: {  	s7 =	spop (v2sf)  }
0x42: {  	[dreg:$0xa] =	wrdreg s26;
	s26 =	spop (v2sf)  }
0x43: {  	[dreg:$0xc] =	wrdreg s23;
	s23 =	spop (v2sf)  }
0x44: {  	s21 =	spop (v2sf)  }
0x45: {  	s19 =	spop (v2sf)  }
0x46: {  	s17 =	spop (v2sf)  }
0x47: {  	s4 =	spop (v2sf)  }
0x48: {  	s2 =	spop (v2sf)  }
0x49: {  	[dreg:$0x10] =	wrdreg s4;
	s4 =	spop (v2sf)  }
0x4a: {  	[dreg:$0xf] =	wrdreg s4;
	s3 =	spop (v2sf)  }
0x4b: {  	[dreg:$0xe] =	wrdreg s3;
	s4 =	spop (v2sf)  }
0x4c: {  	[dreg:$0xd] =	wrdreg s4;
	s3 =	spop (v2sf)  }
0x4d: {  	[dreg:$0xb] =	wrdreg s3;
	s4 =	spop (v2sf)  }
0x4e: {  	s3 =	simm.s32 $0x1;
	[dreg:$0x9] =	wrdreg s4  }
0x4f: {  	v0 =	vnsel vm0, $0x0, v17;
	_ =	swait.ge [sflag:s3], $0xC000  }
0x50: {  	(xrf0) =	vadd.scan.msk.s32 $0xffff, v0;
	_ =	sdelay $0x5  }
0x51: {  	v0, _, _ =	vpop (xrf0)  }
0x52: {  	(v2sf) =	vpush v0, $0xF;
	_ =	sdelay $0xe  }
0x53: {  	s0 =	spop (v2sf)  }
0x54: {  	s4 =	sshrl.u32 s0, $0x3  }
0x55: {  	s0 =	sshll.u32 s0, $0x7;
	s4 =	smul.u32 $0x60000, s4  }
0x56: {  	s0 =	sand.u32 $0x380, s0  }
0x57: {  	s0 =	sor.u32 s0, s4  }
0x58: {  	p0 =	seq.s32 s6, s5;
	[sflag:s3] =	ssyncset.done $0x0;
	s0 =	sshrl.u32 s0, $0x3  }
0x59: {  	s15 =	simm.s32 $0x400;
	[sflag:s3] =	ssyncadd.s32 $0xFFFF4000;
	s0 =	sadd.s32 s29, s0  }
0x5a: {  	[hbm4b:s0+s13] =	stream.strided.scatter [tilespmem:s28], [sflag:$0x2], $0xC000, s15, s13, $0x38;
	[tilespmem:$0x18100] =	vst v63  }
0x5b: {  	s0 =	sshrl.u32 @!p0 s6, $0x3  }
0x5c: {  	s4 =	sshll.u32 @!p0 s6, $0x7;
	s0 =	smul.u32 @!p0 $0x60000, s0  }
0x5d: {  	s4 =	sand.u32 @!p0 $0x380, s4  }
0x5e: {  	s0 =	sor.u32 @!p0 s4, s0  }
0x5f: {  	s3 =	simm.s32 @!p0 $0x400;
	s0 =	sshrl.u32 @!p0 s0, $0x3  }
0x60: {  	s28 =	simm.s32 @!p0 $0xC100;
	s4 =	simm.s32 @!p0 $0x80;
	s0 =	sadd.s32 @!p0 s1, s0  }
0x61: {  	[tilespmem:s28], [sflag:$0x1] =	stream.strided.gather @!p0 [hbm4b:s0+s4], $0xC000, s3, s4, $0x38;
	[tilespmem:$0x18100] =	vst v63  }
0x62: {  	s3 =	sshrl.u32 s31, $0x3  }
0x63: {  	s4 =	sshll.u32 s31, $0x7;
	s0 =	smul.u32 $0x60000, s3  }
0x64: {  	s3 =	sand.u32 $0x380, s4;
	s4 =	simm.s32 @!p0 $0x1  }
0x65: {  	p1 =	sne.s32 s9, s6;
	_ =	swait.ge @!p0 [sflag:s4], $0xC000;
	s0 =	sor.u32 s3, s0  }
0x66: {  	s15 =	simm.s32 $0x400;
	[sflag:s4] =	ssyncset.done @!p0 $0x0;
	s0 =	sshrl.u32 s0, $0x3  }
0x67: {  	s28 =	simm.s32 @p0 $0x100;
	[sflag:s4] =	ssyncadd.s32 @!p0 $0xFFFF4000;
	s0 =	sadd.s32 s29, s0  }
0x68: {  	[hbm4b:s0+s13] =	stream.strided.scatter [tilespmem:s28], [sflag:$0x3], $0xC000, s15, s13, $0x38;
	[tilespmem:$0x18100] =	vst v63  }
0x69: {  	s3 =	simm.s32 $0x1;
	p0 =	sne.s32 s6, s5;
	s0 =	simm.s32 $0x1  }
0x6a: {  	s3 =	simm.s32 @!p1 $0x0;
	s0 =	simm.s32 @!p0 $0x0  }
0x6b: {  	s5 =	sadd.s32 s3, s0  }
0x6c: {  	p1 =	seq.s32 s9, s6;
	s0 =	sand.u32 $0x1, s5  }
0x6d: {  	p0 =	sne.s32 @!p1 s0, $0x0  }
0x6e: {  	p2 =	por p0, p1  }
0x6f: {  	s6 =	simm.s32 $0x2;
	s3 =	sshrl.u32 @!p2 s9, $0x3  }
0x70: {  	_ =	swait.ge [sflag:s6], $0xC000;
	s4 =	sshll.u32 @!p2 s9, $0x7;
	s3 =	smul.u32 @!p2 $0x60000, s3  }
0x71: {  	[sflag:s6] =	ssyncset.done $0x0;
	s4 =	sand.u32 @!p2 $0x380, s4  }
0x72: {  	[sflag:s6] =	ssyncadd.s32 $0xFFFF4000;
	p0 =	seq.s32 s0, $0x1;
	s3 =	sor.u32 @!p2 s4, s3  }
0x73: {  	s6 =	simm.s32 @!p2 $0x400;
	s28 =	simm.s32 @!p2 $0x100;
	s3 =	sshrl.u32 @!p2 s3, $0x3  }
0x74: {  	p1 =	por !p0, p1;
	s4 =	simm.s32 @!p2 $0x80;
	s3 =	sadd.s32 @!p2 s1, s3  }
0x75: {  	[tilespmem:s28], [sflag:$0x1] =	stream.strided.gather @!p2 [hbm4b:s3+s4], $0xC000, s6, s4, $0x38;
	[tilespmem:$0x18100] =	vst v63  }
0x76: {  	s3 =	sshrl.u32 @!p1 s9, $0x3;
	s6 =	simm.s32 @!p2 $0x1  }
0x77: {  	s4 =	sshll.u32 @!p1 s9, $0x7;
	s3 =	smul.u32 @!p1 $0x60000, s3;
	_ =	swait.ge @!p2 [sflag:s6], $0xC000  }
0x78: {  	s4 =	sand.u32 @!p1 $0x380, s4;
	[sflag:s6] =	ssyncset.done @!p2 $0x0  }
0x79: {  	s28 =	simm.s32 @!p1 $0xC100;
	s3 =	sor.u32 @!p1 s4, s3;
	[sflag:s6] =	ssyncadd.s32 @!p2 $0xFFFF4000  }
0x7a: {  	s4 =	simm.s32 @!p1 $0x80;
	p2 =	sne.s32 s0, $0x0;
	s3 =	sshrl.u32 @!p1 s3, $0x3  }
0x7b: {  	s6 =	simm.s32 @!p1 $0x400;
	s0 =	sshrl.u32 @!p2 s30, $0x3;
	s3 =	sadd.s32 @!p1 s1, s3  }
0x7c: {  	[tilespmem:s28], [sflag:$0x1] =	stream.strided.gather @!p1 [hbm4b:s3+s4], $0xC000, s6, s4, $0x38;
	[tilespmem:$0x18100] =	vst v63  }
0x7d: {  	s0 =	smul.u32 @!p2 $0x60000, s0;
	s3 =	sshll.u32 @!p2 s30, $0x7  }
0x7e: {  	s4 =	simm.s32 @!p1 $0x1;
	s3 =	sand.u32 @!p2 $0x380, s3  }
0x7f: {  	s6 =	simm.s32 @!p2 $0x100;
	_ =	swait.ge @!p1 [sflag:s4], $0xC000;
	s0 =	sor.u32 @!p2 s3, s0  }
0x80: {  	[sflag:s4] =	ssyncset.done @!p1 $0x0;
	s3 =	simm.s32 @!p2 $0x80;
	s0 =	sshrl.u32 @!p2 s0, $0x3  }
0x81: {  	[sflag:s4] =	ssyncadd.s32 @!p1 $0xFFFF4000;
	s4 =	simm.s32 @!p2 $0x400;
	s0 =	sadd.s32 @!p2 s29, s0  }
0x82: {  	[hbm4b:s0+s3] =	stream.strided.scatter @!p2 [tilespmem:s6], [sflag:$0x4], $0xC000, s4, s3, $0x38;
	[tilespmem:$0x18100] =	vst v63  }
0x83: {  	s0 =	sshrl.u32 @p0 s30, $0x3  }
0x84: {  	s3 =	sshll.u32 @p0 s30, $0x7;
	s0 =	smul.u32 @p0 $0x60000, s0  }
0x85: {  	s3 =	sand.u32 @p0 $0x380, s3  }
0x86: {  	s0 =	sor.u32 @p0 s3, s0  }
0x87: {  	s4 =	simm.s32 @p0 $0x400;
	s0 =	sshrl.u32 @p0 s0, $0x3  }
0x88: {  	s6 =	simm.s32 @p0 $0xC100;
	s3 =	simm.s32 @p0 $0x80;
	s0 =	sadd.s32 @p0 s29, s0  }
0x89: {  	[hbm4b:s0+s3] =	stream.strided.scatter @p0 [tilespmem:s6], [sflag:$0x4], $0xC000, s4, s3, $0x38;
	[tilespmem:$0x18100] =	vst v63  }
0x8a: {  	p0 =	sne.s32 s25, s9;
	s0 =	simm.s32 $0x1  }
0x8b: {  	s0 =	simm.s32 @!p0 $0x0  }
0x8c: {  	s5 =	sadd.s32 s0, s5  }
0x8d: {  	p1 =	seq.s32 s25, s9;
	s0 =	sand.u32 $0x1, s5  }
0x8e: {  	p0 =	sne.s32 @!p1 s0, $0x0  }
0x8f: {  	p2 =	por p0, p1  }
0x90: {  	s9 =	simm.s32 $0x3;
	s3 =	sshrl.u32 @!p2 s25, $0x3  }
0x91: {  	_ =	swait.ge [sflag:s9], $0xC000;
	s4 =	sshll.u32 @!p2 s25, $0x7;
	s3 =	smul.u32 @!p2 $0x60000, s3  }
0x92: {  	[sflag:s9] =	ssyncset.done $0x0;
	s4 =	sand.u32 @!p2 $0x380, s4  }
0x93: {  	[sflag:s9] =	ssyncadd.s32 $0xFFFF4000;
	p0 =	seq.s32 s0, $0x1;
	s3 =	sor.u32 @!p2 s4, s3  }
0x94: {  	s6 =	simm.s32 @!p2 $0x400;
	s9 =	simm.s32 @!p2 $0x100;
	s3 =	sshrl.u32 @!p2 s3, $0x3  }
0x95: {  	p1 =	por !p0, p1;
	s4 =	simm.s32 @!p2 $0x80;
	s3 =	sadd.s32 @!p2 s1, s3  }
0x96: {  	[tilespmem:s9], [sflag:$0x1] =	stream.strided.gather @!p2 [hbm4b:s3+s4], $0xC000, s6, s4, $0x38;
	[tilespmem:$0x18100] =	vst v63  }
0x97: {  	s3 =	sshrl.u32 @!p1 s25, $0x3;
	s6 =	simm.s32 @!p2 $0x1  }
0x98: {  	s4 =	sshll.u32 @!p1 s25, $0x7;
	s3 =	smul.u32 @!p1 $0x60000, s3;
	_ =	swait.ge @!p2 [sflag:s6], $0xC000  }
0x99: {  	s4 =	sand.u32 @!p1 $0x380, s4;
	[sflag:s6] =	ssyncset.done @!p2 $0x0  }
0x9a: {  	s9 =	simm.s32 @!p1 $0xC100;
	s3 =	sor.u32 @!p1 s4, s3;
	[sflag:s6] =	ssyncadd.s32 @!p2 $0xFFFF4000  }
0x9b: {  	s4 =	simm.s32 @!p1 $0x80;
	p2 =	sne.s32 s0, $0x0;
	s3 =	sshrl.u32 @!p1 s3, $0x3  }
0x9c: {  	s6 =	simm.s32 @!p1 $0x400;
	s0 =	sshrl.u32 @!p2 s7, $0x3;
	s3 =	sadd.s32 @!p1 s1, s3  }
0x9d: {  	[tilespmem:s9], [sflag:$0x1] =	stream.strided.gather @!p1 [hbm4b:s3+s4], $0xC000, s6, s4, $0x38;
	[tilespmem:$0x18100] =	vst v63  }
0x9e: {  	s0 =	smul.u32 @!p2 $0x60000, s0;
	s3 =	sshll.u32 @!p2 s7, $0x7  }
0x9f: {  	s4 =	simm.s32 @!p1 $0x1;
	s3 =	sand.u32 @!p2 $0x380, s3  }
0xa0: {  	s6 =	simm.s32 @!p2 $0x100;
	_ =	swait.ge @!p1 [sflag:s4], $0xC000;
	s0 =	sor.u32 @!p2 s3, s0  }
0xa1: {  	[sflag:s4] =	ssyncset.done @!p1 $0x0;
	s3 =	simm.s32 @!p2 $0x80;
	s0 =	sshrl.u32 @!p2 s0, $0x3  }
0xa2: {  	[sflag:s4] =	ssyncadd.s32 @!p1 $0xFFFF4000;
	s4 =	simm.s32 @!p2 $0x400;
	s0 =	sadd.s32 @!p2 s29, s0  }
0xa3: {  	[hbm4b:s0+s3] =	stream.strided.scatter @!p2 [tilespmem:s6], [sflag:$0x5], $0xC000, s4, s3, $0x38;
	[tilespmem:$0x18100] =	vst v63  }
0xa4: {  	s0 =	sshrl.u32 @p0 s7, $0x3  }
0xa5: {  	s3 =	sshll.u32 @p0 s7, $0x7;
	s0 =	smul.u32 @p0 $0x60000, s0  }
0xa6: {  	s3 =	sand.u32 @p0 $0x380, s3  }
0xa7: {  	s0 =	sor.u32 @p0 s3, s0  }
0xa8: {  	s4 =	simm.s32 @p0 $0x400;
	s0 =	sshrl.u32 @p0 s0, $0x3  }
0xa9: {  	s6 =	simm.s32 @p0 $0xC100;
	s3 =	simm.s32 @p0 $0x80;
	s0 =	sadd.s32 @p0 s29, s0  }
0xaa: {  	[hbm4b:s0+s3] =	stream.strided.scatter @p0 [tilespmem:s6], [sflag:$0x5], $0xC000, s4, s3, $0x38;
	[tilespmem:$0x18100] =	vst v63  }
0xab: {  	p0 =	sne.s32 s24, s25;
	s0 =	simm.s32 $0x1  }
0xac: {  	s0 =	simm.s32 @!p0 $0x0  }
0xad: {  	s5 =	sadd.s32 s0, s5  }
0xae: {  	p1 =	seq.s32 s24, s25;
	s0 =	sand.u32 $0x1, s5  }
0xaf: {  	p0 =	sne.s32 @!p1 s0, $0x0  }
0xb0: {  	p2 =	por p0, p1  }
0xb1: {  	s25 =	simm.s32 $0x4;
	s3 =	sshrl.u32 @!p2 s24, $0x3  }
0xb2: {  	_ =	swait.ge [sflag:s25], $0xC000;
	s4 =	sshll.u32 @!p2 s24, $0x7;
	s3 =	smul.u32 @!p2 $0x60000, s3  }
0xb3: {  	[sflag:s25] =	ssyncset.done $0x0;
	s4 =	sand.u32 @!p2 $0x380, s4  }
0xb4: {  	[sflag:s25] =	ssyncadd.s32 $0xFFFF4000;
	p0 =	seq.s32 s0, $0x1;
	s3 =	sor.u32 @!p2 s4, s3  }
0xb5: {  	s6 =	simm.s32 @!p2 $0x400;
	s7 =	simm.s32 @!p2 $0x100;
	s3 =	sshrl.u32 @!p2 s3, $0x3  }
0xb6: {  	p1 =	por !p0, p1;
	s4 =	simm.s32 @!p2 $0x80;
	s3 =	sadd.s32 @!p2 s1, s3  }
0xb7: {  	[tilespmem:s7], [sflag:$0x1] =	stream.strided.gather @!p2 [hbm4b:s3+s4], $0xC000, s6, s4, $0x38;
	[tilespmem:$0x18100] =	vst v63  }
0xb8: {  	s3 =	sshrl.u32 @!p1 s24, $0x3;
	s6 =	simm.s32 @!p2 $0x1  }
0xb9: {  	s4 =	sshll.u32 @!p1 s24, $0x7;
	s3 =	smul.u32 @!p1 $0x60000, s3;
	_ =	swait.ge @!p2 [sflag:s6], $0xC000  }
0xba: {  	s4 =	sand.u32 @!p1 $0x380, s4;
	[sflag:s6] =	ssyncset.done @!p2 $0x0  }
0xbb: {  	s7 =	simm.s32 @!p1 $0xC100;
	s3 =	sor.u32 @!p1 s4, s3;
	[sflag:s6] =	ssyncadd.s32 @!p2 $0xFFFF4000  }
0xbc: {  	s4 =	simm.s32 @!p1 $0x80;
	p2 =	sne.s32 s0, $0x0;
	s3 =	sshrl.u32 @!p1 s3, $0x3  }
0xbd: {  	s6 =	simm.s32 @!p1 $0x400;
	s0 =	sshrl.u32 @!p2 s26, $0x3;
	s3 =	sadd.s32 @!p1 s1, s3  }
0xbe: {  	[tilespmem:s7], [sflag:$0x1] =	stream.strided.gather @!p1 [hbm4b:s3+s4], $0xC000, s6, s4, $0x38;
	[tilespmem:$0x18100] =	vst v63  }
0xbf: {  	s0 =	smul.u32 @!p2 $0x60000, s0;
	s3 =	sshll.u32 @!p2 s26, $0x7  }
0xc0: {  	s4 =	simm.s32 @!p1 $0x1;
	s3 =	sand.u32 @!p2 $0x380, s3  }
0xc1: {  	s6 =	simm.s32 @!p2 $0x100;
	_ =	swait.ge @!p1 [sflag:s4], $0xC000;
	s0 =	sor.u32 @!p2 s3, s0  }
0xc2: {  	[sflag:s4] =	ssyncset.done @!p1 $0x0;
	s3 =	simm.s32 @!p2 $0x80;
	s0 =	sshrl.u32 @!p2 s0, $0x3  }
0xc3: {  	[sflag:s4] =	ssyncadd.s32 @!p1 $0xFFFF4000;
	s4 =	simm.s32 @!p2 $0x400;
	s0 =	sadd.s32 @!p2 s29, s0  }
0xc4: {  	[hbm4b:s0+s3] =	stream.strided.scatter @!p2 [tilespmem:s6], [sflag:$0x6], $0xC000, s4, s3, $0x38;
	[tilespmem:$0x18100] =	vst v63  }
0xc5: {  	s0 =	sshrl.u32 @p0 s26, $0x3  }
0xc6: {  	s3 =	sshll.u32 @p0 s26, $0x7;
	s0 =	smul.u32 @p0 $0x60000, s0  }
0xc7: {  	s3 =	sand.u32 @p0 $0x380, s3  }
0xc8: {  	s0 =	sor.u32 @p0 s3, s0  }
0xc9: {  	s4 =	simm.s32 @p0 $0x400;
	s0 =	sshrl.u32 @p0 s0, $0x3  }
0xca: {  	s6 =	simm.s32 @p0 $0xC100;
	s3 =	simm.s32 @p0 $0x80;
	s0 =	sadd.s32 @p0 s29, s0  }
0xcb: {  	[hbm4b:s0+s3] =	stream.strided.scatter @p0 [tilespmem:s6], [sflag:$0x6], $0xC000, s4, s3, $0x38;
	[tilespmem:$0x18100] =	vst v63  }
0xcc: {  	p0 =	sne.s32 s22, s24;
	s0 =	simm.s32 $0x1  }
0xcd: {  	s0 =	simm.s32 @!p0 $0x0  }
0xce: {  	s0 =	sadd.s32 s0, s5  }
0xcf: {  	p1 =	seq.s32 s22, s24;
	s3 =	sand.u32 $0x1, s0  }
0xd0: {  	p0 =	sne.s32 @!p1 s3, $0x0  }
0xd1: {  	p2 =	por p0, p1  }
0xd2: {  	s28 =	simm.s32 $0x5;
	s4 =	sshrl.u32 @!p2 s22, $0x3  }
0xd3: {  	_ =	swait.ge [sflag:s28], $0xC000;
	s5 =	sshll.u32 @!p2 s22, $0x7;
	s4 =	smul.u32 @!p2 $0x60000, s4  }
0xd4: {  	[sflag:s28] =	ssyncset.done $0x0;
	s5 =	sand.u32 @!p2 $0x380, s5  }
0xd5: {  	[sflag:s28] =	ssyncadd.s32 $0xFFFF4000;
	p0 =	seq.s32 s3, $0x1;
	s4 =	sor.u32 @!p2 s5, s4  }
0xd6: {  	s6 =	simm.s32 @!p2 $0x400;
	s7 =	simm.s32 @!p2 $0x100;
	s4 =	sshrl.u32 @!p2 s4, $0x3  }
0xd7: {  	p1 =	por !p0, p1;
	s5 =	simm.s32 @!p2 $0x80;
	s4 =	sadd.s32 @!p2 s1, s4  }
0xd8: {  	[tilespmem:s7], [sflag:$0x1] =	stream.strided.gather @!p2 [hbm4b:s4+s5], $0xC000, s6, s5, $0x38;
	[tilespmem:$0x18100] =	vst v63  }
0xd9: {  	s4 =	sshrl.u32 @!p1 s22, $0x3;
	s6 =	simm.s32 @!p2 $0x1  }
0xda: {  	s5 =	sshll.u32 @!p1 s22, $0x7;
	s4 =	smul.u32 @!p1 $0x60000, s4;
	_ =	swait.ge @!p2 [sflag:s6], $0xC000  }
0xdb: {  	s5 =	sand.u32 @!p1 $0x380, s5;
	[sflag:s6] =	ssyncset.done @!p2 $0x0  }
0xdc: {  	s7 =	simm.s32 @!p1 $0xC100;
	s4 =	sor.u32 @!p1 s5, s4;
	[sflag:s6] =	ssyncadd.s32 @!p2 $0xFFFF4000  }
0xdd: {  	s5 =	simm.s32 @!p1 $0x80;
	p2 =	sne.s32 s3, $0x0;
	s4 =	sshrl.u32 @!p1 s4, $0x3  }
0xde: {  	s6 =	simm.s32 @!p1 $0x400;
	s3 =	sshrl.u32 @!p2 s23, $0x3;
	s4 =	sadd.s32 @!p1 s1, s4  }
0xdf: {  	[tilespmem:s7], [sflag:$0x1] =	stream.strided.gather @!p1 [hbm4b:s4+s5], $0xC000, s6, s5, $0x38;
	[tilespmem:$0x18100] =	vst v63  }
0xe0: {  	s3 =	smul.u32 @!p2 $0x60000, s3;
	s4 =	sshll.u32 @!p2 s23, $0x7  }
0xe1: {  	s5 =	simm.s32 @!p1 $0x1;
	s4 =	sand.u32 @!p2 $0x380, s4  }
0xe2: {  	s6 =	simm.s32 @!p2 $0x100;
	_ =	swait.ge @!p1 [sflag:s5], $0xC000;
	s3 =	sor.u32 @!p2 s4, s3  }
0xe3: {  	[sflag:s5] =	ssyncset.done @!p1 $0x0;
	s4 =	simm.s32 @!p2 $0x80;
	s3 =	sshrl.u32 @!p2 s3, $0x3  }
0xe4: {  	[sflag:s5] =	ssyncadd.s32 @!p1 $0xFFFF4000;
	s5 =	simm.s32 @!p2 $0x400;
	s3 =	sadd.s32 @!p2 s29, s3  }
0xe5: {  	[hbm4b:s3+s4] =	stream.strided.scatter @!p2 [tilespmem:s6], [sflag:$0x7], $0xC000, s5, s4, $0x38;
	[tilespmem:$0x18100] =	vst v63  }
0xe6: {  	s3 =	sshrl.u32 @p0 s23, $0x3  }
0xe7: {  	s4 =	sshll.u32 @p0 s23, $0x7;
	s3 =	smul.u32 @p0 $0x60000, s3  }
0xe8: {  	p1 =	sne.s32 s20, s22;
	s5 =	simm.s32 $0x1;
	s4 =	sand.u32 @p0 $0x380, s4  }
0xe9: {  	s5 =	simm.s32 @!p1 $0x0;
	s3 =	sor.u32 @p0 s4, s3  }
0xea: {  	s6 =	simm.s32 @p0 $0xC100;
	s5 =	sadd.s32 s5, s0;
	s3 =	sshrl.u32 @p0 s3, $0x3  }
0xeb: {  	s4 =	simm.s32 @p0 $0x400;
	s0 =	sadd.s32 @p0 s29, s3;
	s3 =	simm.s32 @p0 $0x80  }
0xec: {  	[hbm4b:s0+s3] =	stream.strided.scatter @p0 [tilespmem:s6], [sflag:$0x7], $0xC000, s4, s3, $0x38;
	[tilespmem:$0x18100] =	vst v63  }
0xed: {  	p1 =	seq.s32 s20, s22;
	s0 =	sand.u32 $0x1, s5  }
0xee: {  	p0 =	sne.s32 @!p1 s0, $0x0  }
0xef: {  	p2 =	por p0, p1  }
0xf0: {  	s30 =	simm.s32 $0x6;
	s3 =	sshrl.u32 @!p2 s20, $0x3  }
0xf1: {  	_ =	swait.ge [sflag:s30], $0xC000;
	s4 =	sshll.u32 @!p2 s20, $0x7;
	s3 =	smul.u32 @!p2 $0x60000, s3  }
0xf2: {  	[sflag:s30] =	ssyncset.done $0x0;
	s4 =	sand.u32 @!p2 $0x380, s4  }
0xf3: {  	p0 =	seq.s32 s0, $0x1;
	[sflag:s30] =	ssyncadd.s32 $0xFFFF4000;
	s3 =	sor.u32 @!p2 s4, s3  }
0xf4: {  	s6 =	simm.s32 @!p2 $0x400;
	s7 =	simm.s32 @!p2 $0x100;
	s3 =	sshrl.u32 @!p2 s3, $0x3  }
0xf5: {  	p1 =	por !p0, p1;
	s4 =	simm.s32 @!p2 $0x80;
	s3 =	sadd.s32 @!p2 s1, s3  }
0xf6: {  	[tilespmem:s7], [sflag:$0x1] =	stream.strided.gather @!p2 [hbm4b:s3+s4], $0xC000, s6, s4, $0x38;
	[tilespmem:$0x18100] =	vst v63  }
0xf7: {  	s3 =	sshrl.u32 @!p1 s20, $0x3;
	s6 =	simm.s32 @!p2 $0x1  }
0xf8: {  	s4 =	sshll.u32 @!p1 s20, $0x7;
	s3 =	smul.u32 @!p1 $0x60000, s3;
	_ =	swait.ge @!p2 [sflag:s6], $0xC000  }
0xf9: {  	s4 =	sand.u32 @!p1 $0x380, s4;
	[sflag:s6] =	ssyncset.done @!p2 $0x0  }
0xfa: {  	s7 =	simm.s32 @!p1 $0xC100;
	s3 =	sor.u32 @!p1 s4, s3;
	[sflag:s6] =	ssyncadd.s32 @!p2 $0xFFFF4000  }
0xfb: {  	s4 =	simm.s32 @!p1 $0x80;
	p2 =	sne.s32 s0, $0x0;
	s3 =	sshrl.u32 @!p1 s3, $0x3  }
0xfc: {  	s6 =	simm.s32 @!p1 $0x400;
	s0 =	sshrl.u32 @!p2 s21, $0x3;
	s3 =	sadd.s32 @!p1 s1, s3  }
0xfd: {  	[tilespmem:s7], [sflag:$0x1] =	stream.strided.gather @!p1 [hbm4b:s3+s4], $0xC000, s6, s4, $0x38;
	[tilespmem:$0x18100] =	vst v63  }
0xfe: {  	s0 =	smul.u32 @!p2 $0x60000, s0;
	s3 =	sshll.u32 @!p2 s21, $0x7  }
0xff: {  	s4 =	simm.s32 @!p1 $0x1;
	s3 =	sand.u32 @!p2 $0x380, s3  }
0x100: {  	s6 =	simm.s32 @!p2 $0x100;
	_ =	swait.ge @!p1 [sflag:s4], $0xC000;
	s0 =	sor.u32 @!p2 s3, s0  }
0x101: {  	[sflag:s4] =	ssyncset.done @!p1 $0x0;
	s3 =	simm.s32 @!p2 $0x80;
	s0 =	sshrl.u32 @!p2 s0, $0x3  }
0x102: {  	[sflag:s4] =	ssyncadd.s32 @!p1 $0xFFFF4000;
	s4 =	simm.s32 @!p2 $0x400;
	s0 =	sadd.s32 @!p2 s29, s0  }
0x103: {  	[hbm4b:s0+s3] =	stream.strided.scatter @!p2 [tilespmem:s6], [sflag:$0x8], $0xC000, s4, s3, $0x38;
	[tilespmem:$0x18100] =	vst v63  }
0x104: {  	s0 =	sshrl.u32 @p0 s21, $0x3  }
0x105: {  	s3 =	sshll.u32 @p0 s21, $0x7;
	s0 =	smul.u32 @p0 $0x60000, s0  }
0x106: {  	p1 =	sne.s32 s18, s20;
	s4 =	simm.s32 $0x1;
	s3 =	sand.u32 @p0 $0x380, s3  }
0x107: {  	s4 =	simm.s32 @!p1 $0x0;
	s0 =	sor.u32 @p0 s3, s0  }
0x108: {  	s6 =	simm.s32 @p0 $0xC100;
	s5 =	sadd.s32 s4, s5;
	s0 =	sshrl.u32 @p0 s0, $0x3  }
0x109: {  	s4 =	simm.s32 @p0 $0x400;
	s3 =	simm.s32 @p0 $0x80;
	s0 =	sadd.s32 @p0 s29, s0  }
0x10a: {  	[hbm4b:s0+s3] =	stream.strided.scatter @p0 [tilespmem:s6], [sflag:$0x8], $0xC000, s4, s3, $0x38;
	[tilespmem:$0x18100] =	vst v63  }
0x10b: {  	p1 =	seq.s32 s18, s20;
	s0 =	sand.u32 $0x1, s5  }
0x10c: {  	p0 =	sne.s32 @!p1 s0, $0x0  }
0x10d: {  	p2 =	por p0, p1  }
0x10e: {  	s7 =	simm.s32 $0x7;
	s3 =	sshrl.u32 @!p2 s18, $0x3  }
0x10f: {  	_ =	swait.ge [sflag:s7], $0xC000;
	s4 =	sshll.u32 @!p2 s18, $0x7;
	s3 =	smul.u32 @!p2 $0x60000, s3  }
0x110: {  	[sflag:s7] =	ssyncset.done $0x0;
	s4 =	sand.u32 @!p2 $0x380, s4  }
0x111: {  	p0 =	seq.s32 s0, $0x1;
	[sflag:s7] =	ssyncadd.s32 $0xFFFF4000;
	s3 =	sor.u32 @!p2 s4, s3  }
0x112: {  	s6 =	simm.s32 @!p2 $0x400;
	s7 =	simm.s32 @!p2 $0x100;
	s3 =	sshrl.u32 @!p2 s3, $0x3  }
0x113: {  	p1 =	por !p0, p1;
	s4 =	simm.s32 @!p2 $0x80;
	s3 =	sadd.s32 @!p2 s1, s3  }
0x114: {  	[tilespmem:s7], [sflag:$0x1] =	stream.strided.gather @!p2 [hbm4b:s3+s4], $0xC000, s6, s4, $0x38;
	[tilespmem:$0x18100] =	vst v63  }
0x115: {  	s3 =	sshrl.u32 @!p1 s18, $0x3;
	s6 =	simm.s32 @!p2 $0x1  }
0x116: {  	s4 =	sshll.u32 @!p1 s18, $0x7;
	s3 =	smul.u32 @!p1 $0x60000, s3;
	_ =	swait.ge @!p2 [sflag:s6], $0xC000  }
0x117: {  	s4 =	sand.u32 @!p1 $0x380, s4;
	[sflag:s6] =	ssyncset.done @!p2 $0x0  }
0x118: {  	s7 =	simm.s32 @!p1 $0xC100;
	s3 =	sor.u32 @!p1 s4, s3;
	[sflag:s6] =	ssyncadd.s32 @!p2 $0xFFFF4000  }
0x119: {  	s4 =	simm.s32 @!p1 $0x80;
	p2 =	sne.s32 s0, $0x0;
	s3 =	sshrl.u32 @!p1 s3, $0x3  }
0x11a: {  	s6 =	simm.s32 @!p1 $0x400;
	s0 =	sshrl.u32 @!p2 s19, $0x3;
	s3 =	sadd.s32 @!p1 s1, s3  }
0x11b: {  	[tilespmem:s7], [sflag:$0x1] =	stream.strided.gather @!p1 [hbm4b:s3+s4], $0xC000, s6, s4, $0x38;
	[tilespmem:$0x18100] =	vst v63  }
0x11c: {  	s0 =	smul.u32 @!p2 $0x60000, s0;
	s3 =	sshll.u32 @!p2 s19, $0x7  }
0x11d: {  	s4 =	simm.s32 @!p1 $0x1;
	s3 =	sand.u32 @!p2 $0x380, s3  }
0x11e: {  	s6 =	simm.s32 @!p2 $0x100;
	_ =	swait.ge @!p1 [sflag:s4], $0xC000;
	s0 =	sor.u32 @!p2 s3, s0  }
0x11f: {  	[sflag:s4] =	ssyncset.done @!p1 $0x0;
	s3 =	simm.s32 @!p2 $0x80;
	s0 =	sshrl.u32 @!p2 s0, $0x3  }
0x120: {  	[sflag:s4] =	ssyncadd.s32 @!p1 $0xFFFF4000;
	s4 =	simm.s32 @!p2 $0x400;
	s0 =	sadd.s32 @!p2 s29, s0  }
0x121: {  	[hbm4b:s0+s3] =	stream.strided.scatter @!p2 [tilespmem:s6], [sflag:$0x9], $0xC000, s4, s3, $0x38;
	[tilespmem:$0x18100] =	vst v63  }
0x122: {  	s0 =	sshrl.u32 @p0 s19, $0x3  }
0x123: {  	s3 =	sshll.u32 @p0 s19, $0x7;
	s0 =	smul.u32 @p0 $0x60000, s0  }
0x124: {  	p1 =	sne.s32 s16, s18;
	s4 =	simm.s32 $0x1;
	s3 =	sand.u32 @p0 $0x380, s3  }
0x125: {  	s4 =	simm.s32 @!p1 $0x0;
	s0 =	sor.u32 @p0 s3, s0  }
0x126: {  	s6 =	simm.s32 @p0 $0xC100;
	s5 =	sadd.s32 s4, s5;
	s0 =	sshrl.u32 @p0 s0, $0x3  }
0x127: {  	s4 =	simm.s32 @p0 $0x400;
	s3 =	simm.s32 @p0 $0x80;
	s0 =	sadd.s32 @p0 s29, s0  }
0x128: {  	[hbm4b:s0+s3] =	stream.strided.scatter @p0 [tilespmem:s6], [sflag:$0x9], $0xC000, s4, s3, $0x38;
	[tilespmem:$0x18100] =	vst v63  }
0x129: {  	p1 =	seq.s32 s16, s18;
	s0 =	sand.u32 $0x1, s5  }
0x12a: {  	p0 =	sne.s32 @!p1 s0, $0x0  }
0x12b: {  	p2 =	por p0, p1  }
0x12c: {  	s9 =	simm.s32 $0x8;
	s3 =	sshrl.u32 @!p2 s16, $0x3  }
0x12d: {  	_ =	swait.ge [sflag:s9], $0xC000;
	s4 =	sshll.u32 @!p2 s16, $0x7;
	s3 =	smul.u32 @!p2 $0x60000, s3  }
0x12e: {  	[sflag:s9] =	ssyncset.done $0x0;
	s4 =	sand.u32 @!p2 $0x380, s4  }
0x12f: {  	p0 =	seq.s32 s0, $0x1;
	[sflag:s9] =	ssyncadd.s32 $0xFFFF4000;
	s3 =	sor.u32 @!p2 s4, s3  }
0x130: {  	s6 =	simm.s32 @!p2 $0x400;
	s7 =	simm.s32 @!p2 $0x100;
	s3 =	sshrl.u32 @!p2 s3, $0x3  }
0x131: {  	p1 =	por !p0, p1;
	s4 =	simm.s32 @!p2 $0x80;
	s3 =	sadd.s32 @!p2 s1, s3  }
0x132: {  	[tilespmem:s7], [sflag:$0x1] =	stream.strided.gather @!p2 [hbm4b:s3+s4], $0xC000, s6, s4, $0x38;
	[tilespmem:$0x18100] =	vst v63  }
0x133: {  	s3 =	sshrl.u32 @!p1 s16, $0x3;
	s6 =	simm.s32 @!p2 $0x1  }
0x134: {  	s4 =	sshll.u32 @!p1 s16, $0x7;
	s3 =	smul.u32 @!p1 $0x60000, s3;
	_ =	swait.ge @!p2 [sflag:s6], $0xC000  }
0x135: {  	s4 =	sand.u32 @!p1 $0x380, s4;
	[sflag:s6] =	ssyncset.done @!p2 $0x0  }
0x136: {  	s7 =	simm.s32 @!p1 $0xC100;
	s3 =	sor.u32 @!p1 s4, s3;
	[sflag:s6] =	ssyncadd.s32 @!p2 $0xFFFF4000  }
0x137: {  	s4 =	simm.s32 @!p1 $0x80;
	p2 =	sne.s32 s0, $0x0;
	s3 =	sshrl.u32 @!p1 s3, $0x3  }
0x138: {  	s6 =	simm.s32 @!p1 $0x400;
	s0 =	sshrl.u32 @!p2 s17, $0x3;
	s3 =	sadd.s32 @!p1 s1, s3  }
0x139: {  	[tilespmem:s7], [sflag:$0x1] =	stream.strided.gather @!p1 [hbm4b:s3+s4], $0xC000, s6, s4, $0x38;
	[tilespmem:$0x18100] =	vst v63  }
0x13a: {  	s0 =	smul.u32 @!p2 $0x60000, s0;
	s3 =	sshll.u32 @!p2 s17, $0x7  }
0x13b: {  	s4 =	simm.s32 @!p1 $0x1;
	s3 =	sand.u32 @!p2 $0x380, s3  }
0x13c: {  	s6 =	simm.s32 @!p2 $0x100;
	_ =	swait.ge @!p1 [sflag:s4], $0xC000;
	s0 =	sor.u32 @!p2 s3, s0  }
0x13d: {  	[sflag:s4] =	ssyncset.done @!p1 $0x0;
	s3 =	simm.s32 @!p2 $0x80;
	s0 =	sshrl.u32 @!p2 s0, $0x3  }
0x13e: {  	[sflag:s4] =	ssyncadd.s32 @!p1 $0xFFFF4000;
	s4 =	simm.s32 @!p2 $0x400;
	s0 =	sadd.s32 @!p2 s29, s0  }
0x13f: {  	[hbm4b:s0+s3] =	stream.strided.scatter @!p2 [tilespmem:s6], [sflag:$0xA], $0xC000, s4, s3, $0x38;
	[tilespmem:$0x18100] =	vst v63  }
0x140: {  	s0 =	sshrl.u32 @p0 s17, $0x3  }
0x141: {  	s3 =	sshll.u32 @p0 s17, $0x7;
	s0 =	smul.u32 @p0 $0x60000, s0  }
0x142: {  	p1 =	sne.s32 s14, s16;
	s4 =	simm.s32 $0x1;
	s3 =	sand.u32 @p0 $0x380, s3  }
0x143: {  	s4 =	simm.s32 @!p1 $0x0;
	s0 =	sor.u32 @p0 s3, s0  }
0x144: {  	s6 =	simm.s32 @p0 $0xC100;
	s5 =	sadd.s32 s4, s5;
	s0 =	sshrl.u32 @p0 s0, $0x3  }
0x145: {  	s4 =	simm.s32 @p0 $0x400;
	s3 =	simm.s32 @p0 $0x80;
	s0 =	sadd.s32 @p0 s29, s0  }
0x146: {  	[hbm4b:s0+s3] =	stream.strided.scatter @p0 [tilespmem:s6], [sflag:$0xA], $0xC000, s4, s3, $0x38;
	[tilespmem:$0x18100] =	vst v63  }
0x147: {  	p1 =	seq.s32 s14, s16;
	s0 =	sand.u32 $0x1, s5  }
0x148: {  	p0 =	sne.s32 @!p1 s0, $0x0  }
0x149: {  	p2 =	por p0, p1  }
0x14a: {  	s16 =	simm.s32 $0x9;
	s3 =	sshrl.u32 @!p2 s14, $0x3  }
0x14b: {  	_ =	swait.ge [sflag:s16], $0xC000;
	s4 =	sshll.u32 @!p2 s14, $0x7;
	s3 =	smul.u32 @!p2 $0x60000, s3  }
0x14c: {  	[sflag:s16] =	ssyncset.done $0x0;
	s4 =	sand.u32 @!p2 $0x380, s4  }
0x14d: {  	p0 =	seq.s32 s0, $0x1;
	[sflag:s16] =	ssyncadd.s32 $0xFFFF4000;
	s3 =	sor.u32 @!p2 s4, s3  }
0x14e: {  	s6 =	simm.s32 @!p2 $0x400;
	s7 =	simm.s32 @!p2 $0x100;
	s3 =	sshrl.u32 @!p2 s3, $0x3  }
0x14f: {  	p1 =	por !p0, p1;
	s4 =	simm.s32 @!p2 $0x80;
	s3 =	sadd.s32 @!p2 s1, s3  }
0x150: {  	[tilespmem:s7], [sflag:$0x1] =	stream.strided.gather @!p2 [hbm4b:s3+s4], $0xC000, s6, s4, $0x38;
	[tilespmem:$0x18100] =	vst v63  }
0x151: {  	s3 =	sshrl.u32 @!p1 s14, $0x3  }
0x152: {  	s4 =	sshll.u32 @!p1 s14, $0x7;
	s6 =	simm.s32 @!p2 $0x1;
	s3 =	smul.u32 @!p1 $0x60000, s3  }
0x153: {  	s4 =	sand.u32 @!p1 $0x380, s4;
	_ =	swait.ge @!p2 [sflag:s6], $0xC000  }
0x154: {  	[sflag:s6] =	ssyncset.done @!p2 $0x0;
	s3 =	sor.u32 @!p1 s4, s3  }
0x155: {  	s7 =	simm.s32 @!p1 $0xC100;
	[sflag:s6] =	ssyncadd.s32 @!p2 $0xFFFF4000;
	s3 =	sshrl.u32 @!p1 s3, $0x3  }
0x156: {  	s4 =	simm.s32 @!p1 $0x80;
	s6 =	simm.s32 @!p1 $0x400;
	s3 =	sadd.s32 @!p1 s1, s3  }
0x157: {  	[tilespmem:s7], [sflag:$0x1] =	stream.strided.gather @!p1 [hbm4b:s3+s4], $0xC000, s6, s4, $0x38;
	[tilespmem:$0x18100] =	vst v63  }
0x158: {  	p2 =	sne.s32 s0, $0x0;
	s4 =	rddreg [dreg:$0x10]  }
0x159: {  	s0 =	sshrl.u32 @!p2 s4, $0x3;
	s3 =	sshll.u32 @!p2 s4, $0x7  }
0x15a: {  	s7 =	smov.u32 s4;
	s4 =	simm.s32 @!p1 $0x1;
	s0 =	smul.u32 @!p2 $0x60000, s0  }
0x15b: {  	s3 =	sand.u32 @!p2 $0x380, s3;
	_ =	swait.ge @!p1 [sflag:s4], $0xC000  }
0x15c: {  	[sflag:s4] =	ssyncset.done @!p1 $0x0;
	s0 =	sor.u32 @!p2 s3, s0  }
0x15d: {  	s6 =	simm.s32 @!p2 $0x100;
	[sflag:s4] =	ssyncadd.s32 @!p1 $0xFFFF4000;
	s0 =	sshrl.u32 @!p2 s0, $0x3  }
0x15e: {  	s3 =	simm.s32 @!p2 $0x80;
	s4 =	simm.s32 @!p2 $0x400;
	s0 =	sadd.s32 @!p2 s29, s0  }
0x15f: {  	[hbm4b:s0+s3] =	stream.strided.scatter @!p2 [tilespmem:s6], [sflag:$0xB], $0xC000, s4, s3, $0x38;
	[tilespmem:$0x18100] =	vst v63  }
0x160: {  	s0 =	sshrl.u32 @p0 s7, $0x3  }
0x161: {  	s3 =	sshll.u32 @p0 s7, $0x7;
	s0 =	smul.u32 @p0 $0x60000, s0  }
0x162: {  	p1 =	sne.s32 s12, s14;
	s4 =	simm.s32 $0x1;
	s3 =	sand.u32 @p0 $0x380, s3  }
0x163: {  	s4 =	simm.s32 @!p1 $0x0;
	s0 =	sor.u32 @p0 s3, s0  }
0x164: {  	s6 =	simm.s32 @p0 $0xC100;
	s5 =	sadd.s32 s4, s5;
	s0 =	sshrl.u32 @p0 s0, $0x3  }
0x165: {  	s4 =	simm.s32 @p0 $0x400;
	s3 =	simm.s32 @p0 $0x80;
	s0 =	sadd.s32 @p0 s29, s0  }
0x166: {  	[hbm4b:s0+s3] =	stream.strided.scatter @p0 [tilespmem:s6], [sflag:$0xB], $0xC000, s4, s3, $0x38;
	[tilespmem:$0x18100] =	vst v63  }
0x167: {  	p1 =	seq.s32 s12, s14;
	s0 =	sand.u32 $0x1, s5  }
0x168: {  	p0 =	sne.s32 @!p1 s0, $0x0  }
0x169: {  	p2 =	por p0, p1  }
0x16a: {  	s17 =	simm.s32 $0xA;
	s3 =	sshrl.u32 @!p2 s12, $0x3  }
0x16b: {  	_ =	swait.ge [sflag:s17], $0xC000;
	s4 =	sshll.u32 @!p2 s12, $0x7;
	s3 =	smul.u32 @!p2 $0x60000, s3  }
0x16c: {  	[sflag:s17] =	ssyncset.done $0x0;
	s4 =	sand.u32 @!p2 $0x380, s4  }
0x16d: {  	p0 =	seq.s32 s0, $0x1;
	[sflag:s17] =	ssyncadd.s32 $0xFFFF4000;
	s3 =	sor.u32 @!p2 s4, s3  }
0x16e: {  	s6 =	simm.s32 @!p2 $0x400;
	s7 =	simm.s32 @!p2 $0x100;
	s3 =	sshrl.u32 @!p2 s3, $0x3  }
0x16f: {  	p1 =	por !p0, p1;
	s4 =	simm.s32 @!p2 $0x80;
	s3 =	sadd.s32 @!p2 s1, s3  }
0x170: {  	[tilespmem:s7], [sflag:$0x1] =	stream.strided.gather @!p2 [hbm4b:s3+s4], $0xC000, s6, s4, $0x38;
	[tilespmem:$0x18100] =	vst v63  }
0x171: {  	s3 =	sshrl.u32 @!p1 s12, $0x3;
	s6 =	simm.s32 @!p2 $0x1  }
0x172: {  	s4 =	sshll.u32 @!p1 s12, $0x7;
	s3 =	smul.u32 @!p1 $0x60000, s3;
	_ =	swait.ge @!p2 [sflag:s6], $0xC000  }
0x173: {  	s4 =	sand.u32 @!p1 $0x380, s4;
	[sflag:s6] =	ssyncset.done @!p2 $0x0  }
0x174: {  	s7 =	simm.s32 @!p1 $0xC100;
	s3 =	sor.u32 @!p1 s4, s3;
	[sflag:s6] =	ssyncadd.s32 @!p2 $0xFFFF4000  }
0x175: {  	s4 =	simm.s32 @!p1 $0x80;
	p2 =	sne.s32 s0, $0x0;
	s3 =	sshrl.u32 @!p1 s3, $0x3  }
0x176: {  	s6 =	simm.s32 @!p1 $0x400;
	s0 =	sshrl.u32 @!p2 s2, $0x3;
	s3 =	sadd.s32 @!p1 s1, s3  }
0x177: {  	[tilespmem:s7], [sflag:$0x1] =	stream.strided.gather @!p1 [hbm4b:s3+s4], $0xC000, s6, s4, $0x38;
	[tilespmem:$0x18100] =	vst v63  }
0x178: {  	s0 =	smul.u32 @!p2 $0x60000, s0;
	s3 =	sshll.u32 @!p2 s2, $0x7  }
0x179: {  	s4 =	simm.s32 @!p1 $0x1;
	s3 =	sand.u32 @!p2 $0x380, s3  }
0x17a: {  	s6 =	simm.s32 @!p2 $0x100;
	_ =	swait.ge @!p1 [sflag:s4], $0xC000;
	s0 =	sor.u32 @!p2 s3, s0  }
0x17b: {  	[sflag:s4] =	ssyncset.done @!p1 $0x0;
	s3 =	simm.s32 @!p2 $0x80;
	s0 =	sshrl.u32 @!p2 s0, $0x3  }
0x17c: {  	[sflag:s4] =	ssyncadd.s32 @!p1 $0xFFFF4000;
	s4 =	simm.s32 @!p2 $0x400;
	s0 =	sadd.s32 @!p2 s29, s0  }
0x17d: {  	[hbm4b:s0+s3] =	stream.strided.scatter @!p2 [tilespmem:s6], [sflag:$0xC], $0xC000, s4, s3, $0x38;
	[tilespmem:$0x18100] =	vst v63  }
0x17e: {  	s0 =	sshrl.u32 @p0 s2, $0x3  }
0x17f: {  	s2 =	sshll.u32 @p0 s2, $0x7;
	s0 =	smul.u32 @p0 $0x60000, s0  }
0x180: {  	p1 =	sne.s32 s8, s12;
	s3 =	simm.s32 $0x1;
	s2 =	sand.u32 @p0 $0x380, s2  }
0x181: {  	s3 =	simm.s32 @!p1 $0x0;
	s0 =	sor.u32 @p0 s2, s0  }
0x182: {  	s4 =	simm.s32 @p0 $0xC100;
	s5 =	sadd.s32 s3, s5;
	s0 =	sshrl.u32 @p0 s0, $0x3  }
0x183: {  	s3 =	simm.s32 @p0 $0x400;
	s2 =	simm.s32 @p0 $0x80;
	s0 =	sadd.s32 @p0 s29, s0  }
0x184: {  	[hbm4b:s0+s2] =	stream.strided.scatter @p0 [tilespmem:s4], [sflag:$0xC], $0xC000, s3, s2, $0x38;
	[tilespmem:$0x18100] =	vst v63  }
0x185: {  	p1 =	seq.s32 s8, s12;
	s0 =	sand.u32 $0x1, s5  }
0x186: {  	p0 =	sne.s32 @!p1 s0, $0x0  }
0x187: {  	p2 =	por p0, p1  }
0x188: {  	s18 =	simm.s32 $0xB;
	s2 =	sshrl.u32 @!p2 s8, $0x3  }
0x189: {  	_ =	swait.ge [sflag:s18], $0xC000;
	s3 =	sshll.u32 @!p2 s8, $0x7;
	s2 =	smul.u32 @!p2 $0x60000, s2  }
0x18a: {  	[sflag:s18] =	ssyncset.done $0x0;
	s3 =	sand.u32 @!p2 $0x380, s3  }
0x18b: {  	p0 =	seq.s32 s0, $0x1;
	[sflag:s18] =	ssyncadd.s32 $0xFFFF4000;
	s2 =	sor.u32 @!p2 s3, s2  }
0x18c: {  	s4 =	simm.s32 @!p2 $0x400;
	s6 =	simm.s32 @!p2 $0x100;
	s2 =	sshrl.u32 @!p2 s2, $0x3  }
0x18d: {  	p1 =	por !p0, p1;
	s3 =	simm.s32 @!p2 $0x80;
	s2 =	sadd.s32 @!p2 s1, s2  }
0x18e: {  	[tilespmem:s6], [sflag:$0x1] =	stream.strided.gather @!p2 [hbm4b:s2+s3], $0xC000, s4, s3, $0x38;
	[tilespmem:$0x18100] =	vst v63  }
0x18f: {  	s2 =	sshrl.u32 @!p1 s8, $0x3  }
0x190: {  	s3 =	sshll.u32 @!p1 s8, $0x7;
	s4 =	simm.s32 @!p2 $0x1;
	s2 =	smul.u32 @!p1 $0x60000, s2  }
0x191: {  	s3 =	sand.u32 @!p1 $0x380, s3;
	_ =	swait.ge @!p2 [sflag:s4], $0xC000  }
0x192: {  	[sflag:s4] =	ssyncset.done @!p2 $0x0;
	s2 =	sor.u32 @!p1 s3, s2  }
0x193: {  	s6 =	simm.s32 @!p1 $0xC100;
	[sflag:s4] =	ssyncadd.s32 @!p2 $0xFFFF4000;
	s2 =	sshrl.u32 @!p1 s2, $0x3  }
0x194: {  	s3 =	simm.s32 @!p1 $0x80;
	s4 =	simm.s32 @!p1 $0x400;
	s2 =	sadd.s32 @!p1 s1, s2  }
0x195: {  	[tilespmem:s6], [sflag:$0x1] =	stream.strided.gather @!p1 [hbm4b:s2+s3], $0xC000, s4, s3, $0x38;
	[tilespmem:$0x18100] =	vst v63  }
0x196: {  	p2 =	sne.s32 s0, $0x0;
	s3 =	rddreg [dreg:$0xf]  }
0x197: {  	s0 =	sshrl.u32 @!p2 s3, $0x3;
	s2 =	sshll.u32 @!p2 s3, $0x7  }
0x198: {  	s6 =	smov.u32 s3;
	s3 =	simm.s32 @!p1 $0x1;
	s0 =	smul.u32 @!p2 $0x60000, s0  }
0x199: {  	s2 =	sand.u32 @!p2 $0x380, s2;
	_ =	swait.ge @!p1 [sflag:s3], $0xC000  }
0x19a: {  	[sflag:s3] =	ssyncset.done @!p1 $0x0;
	s0 =	sor.u32 @!p2 s2, s0  }
0x19b: {  	s4 =	simm.s32 @!p2 $0x100;
	[sflag:s3] =	ssyncadd.s32 @!p1 $0xFFFF4000;
	s0 =	sshrl.u32 @!p2 s0, $0x3  }
0x19c: {  	s2 =	simm.s32 @!p2 $0x80;
	s3 =	simm.s32 @!p2 $0x400;
	s0 =	sadd.s32 @!p2 s29, s0  }
0x19d: {  	[hbm4b:s0+s2] =	stream.strided.scatter @!p2 [tilespmem:s4], [sflag:$0xD], $0xC000, s3, s2, $0x38;
	[tilespmem:$0x18100] =	vst v63  }
0x19e: {  	s0 =	sshrl.u32 @p0 s6, $0x3  }
0x19f: {  	s2 =	sshll.u32 @p0 s6, $0x7;
	s0 =	smul.u32 @p0 $0x60000, s0  }
0x1a0: {  	p1 =	sne.s32 s10, s8;
	s3 =	simm.s32 $0x1;
	s2 =	sand.u32 @p0 $0x380, s2  }
0x1a1: {  	s3 =	simm.s32 @!p1 $0x0;
	s0 =	sor.u32 @p0 s2, s0  }
0x1a2: {  	s4 =	simm.s32 @p0 $0xC100;
	s5 =	sadd.s32 s3, s5;
	s0 =	sshrl.u32 @p0 s0, $0x3  }
0x1a3: {  	s3 =	simm.s32 @p0 $0x400;
	s2 =	simm.s32 @p0 $0x80;
	s0 =	sadd.s32 @p0 s29, s0  }
0x1a4: {  	[hbm4b:s0+s2] =	stream.strided.scatter @p0 [tilespmem:s4], [sflag:$0xD], $0xC000, s3, s2, $0x38;
	[tilespmem:$0x18100] =	vst v63  }
0x1a5: {  	p1 =	seq.s32 s10, s8;
	s0 =	sand.u32 $0x1, s5  }
0x1a6: {  	p0 =	sne.s32 @!p1 s0, $0x0  }
0x1a7: {  	p2 =	por p0, p1  }
0x1a8: {  	s19 =	simm.s32 $0xC;
	s2 =	sshrl.u32 @!p2 s10, $0x3  }
0x1a9: {  	_ =	swait.ge [sflag:s19], $0xC000;
	s3 =	sshll.u32 @!p2 s10, $0x7;
	s2 =	smul.u32 @!p2 $0x60000, s2  }
0x1aa: {  	[sflag:s19] =	ssyncset.done $0x0;
	s3 =	sand.u32 @!p2 $0x380, s3  }
0x1ab: {  	p0 =	seq.s32 s0, $0x1;
	[sflag:s19] =	ssyncadd.s32 $0xFFFF4000;
	s2 =	sor.u32 @!p2 s3, s2  }
0x1ac: {  	s4 =	simm.s32 @!p2 $0x400;
	s6 =	simm.s32 @!p2 $0x100;
	s2 =	sshrl.u32 @!p2 s2, $0x3  }
0x1ad: {  	p1 =	por !p0, p1;
	s3 =	simm.s32 @!p2 $0x80;
	s2 =	sadd.s32 @!p2 s1, s2  }
0x1ae: {  	[tilespmem:s6], [sflag:$0x1] =	stream.strided.gather @!p2 [hbm4b:s2+s3], $0xC000, s4, s3, $0x38;
	[tilespmem:$0x18100] =	vst v63  }
0x1af: {  	s2 =	sshrl.u32 @!p1 s10, $0x3  }
0x1b0: {  	s3 =	sshll.u32 @!p1 s10, $0x7;
	s4 =	simm.s32 @!p2 $0x1;
	s2 =	smul.u32 @!p1 $0x60000, s2  }
0x1b1: {  	s3 =	sand.u32 @!p1 $0x380, s3;
	_ =	swait.ge @!p2 [sflag:s4], $0xC000  }
0x1b2: {  	[sflag:s4] =	ssyncset.done @!p2 $0x0;
	s2 =	sor.u32 @!p1 s3, s2  }
0x1b3: {  	s6 =	simm.s32 @!p1 $0xC100;
	[sflag:s4] =	ssyncadd.s32 @!p2 $0xFFFF4000;
	s2 =	sshrl.u32 @!p1 s2, $0x3  }
0x1b4: {  	s3 =	simm.s32 @!p1 $0x80;
	s4 =	simm.s32 @!p1 $0x400;
	s2 =	sadd.s32 @!p1 s1, s2  }
0x1b5: {  	[tilespmem:s6], [sflag:$0x1] =	stream.strided.gather @!p1 [hbm4b:s2+s3], $0xC000, s4, s3, $0x38;
	[tilespmem:$0x18100] =	vst v63  }
0x1b6: {  	p2 =	sne.s32 s0, $0x0;
	s3 =	rddreg [dreg:$0xe]  }
0x1b7: {  	s0 =	sshrl.u32 @!p2 s3, $0x3;
	s2 =	sshll.u32 @!p2 s3, $0x7  }
0x1b8: {  	s6 =	smov.u32 s3;
	s3 =	simm.s32 @!p1 $0x1;
	s0 =	smul.u32 @!p2 $0x60000, s0  }
0x1b9: {  	s2 =	sand.u32 @!p2 $0x380, s2;
	_ =	swait.ge @!p1 [sflag:s3], $0xC000  }
0x1ba: {  	[sflag:s3] =	ssyncset.done @!p1 $0x0;
	s0 =	sor.u32 @!p2 s2, s0  }
0x1bb: {  	s4 =	simm.s32 @!p2 $0x100;
	[sflag:s3] =	ssyncadd.s32 @!p1 $0xFFFF4000;
	s0 =	sshrl.u32 @!p2 s0, $0x3  }
0x1bc: {  	s2 =	simm.s32 @!p2 $0x80;
	s3 =	simm.s32 @!p2 $0x400;
	s0 =	sadd.s32 @!p2 s29, s0  }
0x1bd: {  	[hbm4b:s0+s2] =	stream.strided.scatter @!p2 [tilespmem:s4], [sflag:$0xE], $0xC000, s3, s2, $0x38;
	[tilespmem:$0x18100] =	vst v63  }
0x1be: {  	s0 =	sshrl.u32 @p0 s6, $0x3  }
0x1bf: {  	s2 =	sshll.u32 @p0 s6, $0x7;
	s0 =	smul.u32 @p0 $0x60000, s0  }
0x1c0: {  	p1 =	sne.s32 s11, s10;
	s3 =	simm.s32 $0x1;
	s2 =	sand.u32 @p0 $0x380, s2  }
0x1c1: {  	s3 =	simm.s32 @!p1 $0x0;
	s0 =	sor.u32 @p0 s2, s0  }
0x1c2: {  	s20 =	sadd.s32 s3, s5;
	s3 =	simm.s32 @p0 $0x400;
	s0 =	sshrl.u32 @p0 s0, $0x3  }
0x1c3: {  	s5 =	simm.s32 @p0 $0xC100;
	s2 =	simm.s32 @p0 $0x80;
	s0 =	sadd.s32 @p0 s29, s0  }
0x1c4: {  	[hbm4b:s0+s2] =	stream.strided.scatter @p0 [tilespmem:s5], [sflag:$0xE], $0xC000, s3, s2, $0x38;
	[tilespmem:$0x18100] =	vst v63  }
0x1c5: {  	p1 =	seq.s32 s11, s10;
	s0 =	sand.u32 $0x1, s20  }
0x1c6: {  	p0 =	sne.s32 @!p1 s0, $0x0  }
0x1c7: {  	p2 =	por p0, p1  }
0x1c8: {  	s21 =	simm.s32 $0xD;
	s2 =	sshrl.u32 @!p2 s11, $0x3  }
0x1c9: {  	_ =	swait.ge [sflag:s21], $0xC000;
	s3 =	sshll.u32 @!p2 s11, $0x7;
	s2 =	smul.u32 @!p2 $0x60000, s2  }
0x1ca: {  	[sflag:s21] =	ssyncset.done $0x0;
	s3 =	sand.u32 @!p2 $0x380, s3  }
0x1cb: {  	p0 =	seq.s32 s0, $0x1;
	[sflag:s21] =	ssyncadd.s32 $0xFFFF4000;
	s2 =	sor.u32 @!p2 s3, s2  }
0x1cc: {  	s5 =	simm.s32 @!p2 $0x400;
	s6 =	simm.s32 @!p2 $0x100;
	s2 =	sshrl.u32 @!p2 s2, $0x3  }
0x1cd: {  	p1 =	por !p0, p1;
	s3 =	simm.s32 @!p2 $0x80;
	s2 =	sadd.s32 @!p2 s1, s2  }
0x1ce: {  	[tilespmem:s6], [sflag:$0x1] =	stream.strided.gather @!p2 [hbm4b:s2+s3], $0xC000, s5, s3, $0x38;
	[tilespmem:$0x18100] =	vst v63  }
0x1cf: {  	s2 =	sshrl.u32 @!p1 s11, $0x3  }
0x1d0: {  	s3 =	sshll.u32 @!p1 s11, $0x7;
	s5 =	simm.s32 @!p2 $0x1;
	s2 =	smul.u32 @!p1 $0x60000, s2  }
0x1d1: {  	s3 =	sand.u32 @!p1 $0x380, s3;
	_ =	swait.ge @!p2 [sflag:s5], $0xC000  }
0x1d2: {  	[sflag:s5] =	ssyncset.done @!p2 $0x0;
	s2 =	sor.u32 @!p1 s3, s2  }
0x1d3: {  	s6 =	simm.s32 @!p1 $0xC100;
	[sflag:s5] =	ssyncadd.s32 @!p2 $0xFFFF4000;
	s2 =	sshrl.u32 @!p1 s2, $0x3  }
0x1d4: {  	s3 =	simm.s32 @!p1 $0x80;
	s5 =	simm.s32 @!p1 $0x400;
	s2 =	sadd.s32 @!p1 s1, s2  }
0x1d5: {  	[tilespmem:s6], [sflag:$0x1] =	stream.strided.gather @!p1 [hbm4b:s2+s3], $0xC000, s5, s3, $0x38;
	[tilespmem:$0x18100] =	vst v63  }
0x1d6: {  	p2 =	sne.s32 s0, $0x0;
	s3 =	rddreg [dreg:$0xd]  }
0x1d7: {  	s0 =	sshrl.u32 @!p2 s3, $0x3;
	s2 =	sshll.u32 @!p2 s3, $0x7  }
0x1d8: {  	s6 =	smov.u32 s3;
	s3 =	simm.s32 @!p1 $0x1;
	s0 =	smul.u32 @!p2 $0x60000, s0  }
0x1d9: {  	s2 =	sand.u32 @!p2 $0x380, s2;
	_ =	swait.ge @!p1 [sflag:s3], $0xC000  }
0x1da: {  	[sflag:s3] =	ssyncset.done @!p1 $0x0;
	s0 =	sor.u32 @!p2 s2, s0  }
0x1db: {  	s5 =	simm.s32 @!p2 $0x100;
	[sflag:s3] =	ssyncadd.s32 @!p1 $0xFFFF4000;
	s0 =	sshrl.u32 @!p2 s0, $0x3  }
0x1dc: {  	s2 =	simm.s32 @!p2 $0x80;
	s3 =	simm.s32 @!p2 $0x400;
	s0 =	sadd.s32 @!p2 s29, s0  }
0x1dd: {  	[hbm4b:s0+s2] =	stream.strided.scatter @!p2 [tilespmem:s5], [sflag:$0xF], $0xC000, s3, s2, $0x38;
	[tilespmem:$0x18100] =	vst v63  }
0x1de: {  	s0 =	sshrl.u32 @p0 s6, $0x3  }
0x1df: {  	s2 =	sshll.u32 @p0 s6, $0x7;
	s0 =	smul.u32 @p0 $0x60000, s0  }
0x1e0: {  	s2 =	sand.u32 @p0 $0x380, s2  }
0x1e1: {  	s0 =	sor.u32 @p0 s2, s0  }
0x1e2: {  	s3 =	simm.s32 @p0 $0x400;
	s5 =	simm.s32 @p0 $0xC100;
	s0 =	sshrl.u32 @p0 s0, $0x3  }
0x1e3: {  	s6 =	rddreg [dreg:$0xc];
	s2 =	simm.s32 @p0 $0x80;
	s0 =	sadd.s32 @p0 s29, s0  }
0x1e4: {  	[hbm4b:s0+s2] =	stream.strided.scatter @p0 [tilespmem:s5], [sflag:$0xF], $0xC000, s3, s2, $0x38;
	[tilespmem:$0x18100] =	vst v63  }
0x1e5: {  	p0 =	sne.s32 s6, s11;
	s0 =	simm.s32 $0x1  }
0x1e6: {  	s0 =	simm.s32 @!p0 $0x0  }
0x1e7: {  	s0 =	sadd.s32 s0, s20  }
0x1e8: {  	p3 =	seq.s32 s6, s11;
	s0 =	sand.u32 $0x1, s0  }
0x1e9: {  	p0 =	sne.s32 @!p3 s0, $0x0  }
0x1ea: {  	p2 =	por p0, p3  }
0x1eb: {  	s22 =	simm.s32 $0xE;
	s2 =	sshrl.u32 @!p2 s6, $0x3  }
0x1ec: {  	_ =	swait.ge [sflag:s22], $0xC000;
	s3 =	sshll.u32 @!p2 s6, $0x7;
	s2 =	smul.u32 @!p2 $0x60000, s2  }
0x1ed: {  	[sflag:s22] =	ssyncset.done $0x0;
	p0 =	seq.s32 s0, $0x1;
	s3 =	sand.u32 @!p2 $0x380, s3  }
0x1ee: {  	[sflag:s22] =	ssyncadd.s32 $0xFFFF4000;
	p1 =	por !p0, !p0;
	s2 =	sor.u32 @!p2 s3, s2  }
0x1ef: {  	s4 =	simm.s32 @!p2 $0x400;
	s5 =	simm.s32 @!p2 $0x100;
	s2 =	sshrl.u32 @!p2 s2, $0x3  }
0x1f0: {  	p3 =	por p3, p1;
	s3 =	simm.s32 @!p2 $0x80;
	s2 =	sadd.s32 @!p2 s1, s2  }
0x1f1: {  	[tilespmem:s5], [sflag:$0x1] =	stream.strided.gather @!p2 [hbm4b:s2+s3], $0xC000, s4, s3, $0x38;
	[tilespmem:$0x18100] =	vst v63  }
0x1f2: {  	s2 =	sshrl.u32 @!p3 s6, $0x3  }
0x1f3: {  	s3 =	sshll.u32 @!p3 s6, $0x7;
	s4 =	simm.s32 @!p2 $0x1;
	s2 =	smul.u32 @!p3 $0x60000, s2  }
0x1f4: {  	s3 =	sand.u32 @!p3 $0x380, s3;
	_ =	swait.ge @!p2 [sflag:s4], $0xC000  }
0x1f5: {  	[sflag:s4] =	ssyncset.done @!p2 $0x0;
	s2 =	sor.u32 @!p3 s3, s2  }
0x1f6: {  	s5 =	simm.s32 @!p3 $0xC100;
	[sflag:s4] =	ssyncadd.s32 @!p2 $0xFFFF4000;
	s2 =	sshrl.u32 @!p3 s2, $0x3  }
0x1f7: {  	s3 =	simm.s32 @!p3 $0x80;
	s4 =	simm.s32 @!p3 $0x400;
	s2 =	sadd.s32 @!p3 s1, s2  }
0x1f8: {  	[tilespmem:s5], [sflag:$0x1] =	stream.strided.gather @!p3 [hbm4b:s2+s3], $0xC000, s4, s3, $0x38;
	[tilespmem:$0x18100] =	vst v63  }
0x1f9: {  	p2 =	sne.s32 s0, $0x0;
	s3 =	rddreg [dreg:$0xb]  }
0x1fa: {  	s0 =	sshrl.u32 @!p2 s3, $0x3;
	s2 =	sshll.u32 @!p2 s3, $0x7  }
0x1fb: {  	s5 =	smov.u32 s3;
	s3 =	simm.s32 @!p3 $0x1;
	s0 =	smul.u32 @!p2 $0x60000, s0  }
0x1fc: {  	s2 =	sand.u32 @!p2 $0x380, s2;
	_ =	swait.ge @!p3 [sflag:s3], $0xC000  }
0x1fd: {  	[sflag:s3] =	ssyncset.done @!p3 $0x0;
	s0 =	sor.u32 @!p2 s2, s0  }
0x1fe: {  	s4 =	simm.s32 @!p2 $0x100;
	[sflag:s3] =	ssyncadd.s32 @!p3 $0xFFFF4000;
	s0 =	sshrl.u32 @!p2 s0, $0x3  }
0x1ff: {  	s2 =	simm.s32 @!p2 $0x80;
	s3 =	simm.s32 @!p2 $0x400;
	s0 =	sadd.s32 @!p2 s29, s0  }
0x200: {  	[hbm4b:s0+s2] =	stream.strided.scatter @!p2 [tilespmem:s4], [sflag:$0x10], $0xC000, s3, s2, $0x38;
	[tilespmem:$0x18100] =	vst v63  }
0x201: {  	s0 =	sshrl.u32 @p0 s5, $0x3  }
0x202: {  	s2 =	sshll.u32 @p0 s5, $0x7;
	s0 =	smul.u32 @p0 $0x60000, s0  }
0x203: {  	s2 =	sand.u32 @p0 $0x380, s2  }
0x204: {  	s0 =	sor.u32 @p0 s2, s0  }
0x205: {  	s3 =	simm.s32 @p0 $0x400;
	s0 =	sshrl.u32 @p0 s0, $0x3  }
0x206: {  	s4 =	simm.s32 @p0 $0xC100;
	s2 =	simm.s32 @p0 $0x80;
	s0 =	sadd.s32 @p0 s29, s0  }
0x207: {  	[hbm4b:s0+s2] =	stream.strided.scatter @p0 [tilespmem:s4], [sflag:$0x10], $0xC000, s3, s2, $0x38;
	[tilespmem:$0x18100] =	vst v63  }
0x208: {  	s3 =	rddreg [dreg:$0xa]  }
0x209: {  	p6 =	seq.s32 s3, s6  }
0x20a: {  	s23 =	simm.s32 $0xF;
	p2 =	por p6, p1  }
0x20b: {  	s5 =	smov.u32 s3;
	_ =	swait.ge [sflag:s23], $0xC000;
	s0 =	sshrl.u32 @!p2 s3, $0x3  }
0x20c: {  	[sflag:s23] =	ssyncset.done $0x0;
	s2 =	sshll.u32 @!p2 s3, $0x7;
	s0 =	smul.u32 @!p2 $0x60000, s0  }
0x20d: {  	p4 =	sne.s32 s5, s6;
	[sflag:s23] =	ssyncadd.s32 $0xFFFF4000;
	s2 =	sand.u32 @!p2 $0x380, s2  }
0x20e: {  	s3 =	simm.s32 @!p2 $0x400;
	p1 =	por @!p4 p0, p0;
	s0 =	sor.u32 @!p2 s2, s0  }
0x20f: {  	s4 =	simm.s32 @!p2 $0x100;
	p0 =	por !p1, !p1;
	s0 =	sshrl.u32 @!p2 s0, $0x3  }
0x210: {  	p0 =	por p6, p0;
	s2 =	simm.s32 @!p2 $0x80;
	s0 =	sadd.s32 @!p2 s1, s0  }
0x211: {  	[tilespmem:s4], [sflag:$0x1] =	stream.strided.gather @!p2 [hbm4b:s0+s2], $0xC000, s3, s2, $0x38;
	[tilespmem:$0x18100] =	vst v63  }
0x212: {  	s31 =	simm.s32 $0x80;
	s0 =	sshrl.u32 @!p0 s5, $0x3  }
0x213: {  	s2 =	sshll.u32 @!p0 s5, $0x7;
	s3 =	simm.s32 @!p2 $0x1;
	s0 =	smul.u32 @!p0 $0x60000, s0  }
0x214: {  	s4 =	simm.s32 @!p0 $0xC100;
	s2 =	sand.u32 @!p0 $0x380, s2;
	_ =	swait.ge @!p2 [sflag:s3], $0xC000  }
0x215: {  	[sflag:s3] =	ssyncset.done @!p2 $0x0;
	s24 =	rddreg [dreg:$0x9];
	s0 =	sor.u32 @!p0 s2, s0  }
0x216: {  	[sflag:s3] =	ssyncadd.s32 @!p2 $0xFFFF4000;
	s2 =	simm.s32 @!p0 $0x80;
	s0 =	sshrl.u32 @!p0 s0, $0x3  }
0x217: {  	s3 =	simm.s32 @!p0 $0x400;
	s25 =	sshrl.u32 s24, $0x3;
	s0 =	sadd.s32 @!p0 s1, s0  }
0x218: {  	[tilespmem:s4], [sflag:$0x1] =	stream.strided.gather @!p0 [hbm4b:s0+s2], $0xC000, s3, s2, $0x38;
	[tilespmem:$0x18100] =	vst v63  }
0x219: {  	s0 =	simm.s32 @!p0 $0x1;
	s2 =	smul.u32 $0x60000, s25;
	s3 =	sshll.u32 s24, $0x7  }
0x21a: {  	s30 =	simm.s32 $0x10;
	_ =	swait.ge @!p0 [sflag:s0], $0xC000;
	s3 =	sand.u32 $0x380, s3  }
0x21b: {  	s4 =	rddreg [dreg:$0x7];
	s2 =	sor.u32 s3, s2;
	[sflag:s0] =	ssyncset.done @!p0 $0x0  }
0x21c: {  	s28 =	rddreg [dreg:$0x8];
	s2 =	sshrl.u32 s2, $0x3;
	[sflag:s0] =	ssyncadd.s32 @!p0 $0xFFFF4000  }
0x21d: {  	s4 =	simm.s32 @!p1 $0x100;
	s26 =	sadd.s32 s29, s2;
	s2 =	sadd.s32 $0xFFFFFFFF, s28  }
0x21e: {  	[hbm4b:s26+s31] =	stream.strided.scatter [tilespmem:s4], [sflag:$0x11], $0xC000, s15, s31, $0x38;
	[tilespmem:$0x18100] =	vst v63  }
0x21f: {  	p0 =	sne.s32 s2, $0x0;
	_ =	swait.ge [sflag:s30], $0xC000  }
.Ltmp0:
0x220: {  	[sflag:s30] =	ssyncset.done $0x0;
	(pc) =	sbr.rel @p0 .LBB2_1-.Ltmp0, $4  }
0x221: {  	s31 =	simm.s32 $0x11;
	[sflag:s30] =	ssyncadd.s32 $0xFFFF4000  }
0x222: {  	_ =	swait.ge [sflag:s31], $0xC000  }
0x223: {  	[sflag:s31] =	ssyncset.done $0x0  }
0x224: {  	[sflag:s31] =	ssyncadd.s32 $0xFFFF4000  }
0x225: {  	_ =	sfence.sel $0x180000  }
0x226: {  	[bflag:$0x0] =	sbarrier.arrive $0xFFFF  }
0x227: {  	_ =	strace $0x90000047  }
0x228: {  	s0 =	stileid.u32;
	[bflag:$0x2] =	sbarrier.arrive $0xFFFF  }
0x229: {  	p0 =	sne.s32 s0, $0x0;
	s0 =	rddreg [dreg:$0x4]  }
0x22a: {  	s0 =	sadd.s32 @!p0 $0x100000, s0  }
0x22b: {  	[sflag:s0] =	ssyncadd.tile.s32 @!p0 $0x1;
	_ =	shalt  }
.Lfunc_end2:
_tile_overlayer_lowered:
.L_overlay_start_2:
0x22c: {  	(tag) =	ssettag $0x2  }
0x22d: {  	s0 =	rddreg [dreg:$0x0];
	s2 =	stileid.u32  }
0x22e: {  	s1 =	rddreg [dreg:$0x1];
	p0 =	sne.s32 s2, $0x0  }
0x22f: {  	s3 =	rddreg [dreg:$0x2];
	[bflag:$0x3] =	sbarrier.arrive $0xFFFF;
	s2 =	simm.s32 @!p0 $0x1C12  }
0x230: {  	[timem:s3], [sflag:s2] =	dma.local @!p0 [hbm:s0], s1  }
0x231: {  	s0 =	simm.s32 @!p0 $0x12  }
0x232: {  	_ =	swait.ge @!p0 [sflag:s0], s1  }
0x233: {  	s1 =	ssub.s32 @!p0 $0x0, s1;
	[sflag:s0] =	ssyncset.done @!p0 $0x0  }
0x234: {  	[sflag:s0] =	ssyncadd.s32 @!p0 s1  }
0x235: {  	[bflag:$0x3] =	sbarrier.arrive $0xFFFF  }
0x236: {  	_ =	shalt  }

</sc_bundles>
